<compile_context>
chip_gen: v7x
topology: tpu7x:2x2x1
jax: 0.10.2.dev20260603
libtpu: 0.0.44.dev20260713+nightly
codegen_flags: <defaults>
</compile_context>

<pallas_src>
import functools

import jax
import jax.numpy as jnp
from jax import lax
from jax.experimental import pallas as pl
from jax.experimental.pallas import tpu as pltpu
from jax.experimental.pallas import tpu_sc as plsc

_NUM_CLASSES = 10
_ROWS = 8192
_COLS = 2048

_SC_CORES = 2
_SC_SUBCORES = 16
_NW = _SC_CORES * _SC_SUBCORES
_SC_LANES = 16
_SC_CHUNK = 4


def _sc_compute_chunk(s_v, lut_v, xbuf, obuf, b):

    @plsc.parallel_loop(0, _COLS // _SC_LANES, step=1, unroll=1)
    def g_body(g):
        c0 = pl.multiple_of(g * _SC_LANES, _SC_LANES)
        s = [s_v[j, pl.ds(c0, _SC_LANES)] for j in range(9)]
        L = [lut_v[v, pl.ds(c0, _SC_LANES)] for v in range(10)]
        for rr in range(_SC_CHUNK):
            xv = xbuf[b, rr, pl.ds(c0, _SC_LANES)]
            c = [xv > s[j] for j in range(9)]
            hi = jnp.where(c[6],
                           jnp.where(c[8], L[9],
                                     jnp.where(c[7], L[8], L[7])),
                           jnp.where(c[5], L[6], L[5]))
            lo = jnp.where(c[1],
                           jnp.where(c[3], L[4],
                                     jnp.where(c[2], L[3], L[2])),
                           jnp.where(c[0], L[1], L[0]))
            obuf[b, rr, pl.ds(c0, _SC_LANES)] = jnp.where(c[4], hi, lo)


def _sc_body(nrows_per_w, x_hbm, s_hbm, lut_hbm, o_hbm,
             s_v, lut_v, xbuf, obuf, lsem, ssem):
    cid = lax.axis_index("c")
    sid = lax.axis_index("s")
    wid = sid * _SC_CORES + cid
    r0 = wid * nrows_per_w
    pltpu.sync_copy(s_hbm, s_v)
    pltpu.sync_copy(lut_hbm, lut_v)
    nchunks = nrows_per_w // _SC_CHUNK

    def load(i, b):
        return pltpu.make_async_copy(
            x_hbm.at[pl.ds(r0 + i * _SC_CHUNK, _SC_CHUNK)], xbuf.at[b],
            lsem.at[b])

    def store(i, b):
        return pltpu.make_async_copy(
            obuf.at[b], o_hbm.at[pl.ds(r0 + i * _SC_CHUNK, _SC_CHUNK)],
            ssem.at[b])

    load(0, 0).start()

    def outer(i2, carry):
        for b in range(2):
            i = i2 * 2 + b
            nb = (b + 1) % 2

            @pl.when(i + 1 < nchunks)
            def _():
                load(i + 1, nb).start()

            load(i, b).wait()

            @pl.when(i >= 2)
            def _():
                store(i - 2, b).wait()

            _sc_compute_chunk(s_v, lut_v, xbuf, obuf, b)
            store(i, b).start()
        return carry

    lax.fori_loop(0, nchunks // 2, outer, 0)
    store(nchunks - 2, 0).wait()
    store(nchunks - 1, 1).wait()


def _sc_rank(x, s, lut):
    nrows_per_w = _ROWS // _NW
    body = functools.partial(_sc_body, nrows_per_w)
    return pl.kernel(
        body,
        out_type=jax.ShapeDtypeStruct((_ROWS, _COLS), jnp.int32),
        mesh=plsc.VectorSubcoreMesh(core_axis_name="c", subcore_axis_name="s"),
        scratch_types=[
            pltpu.VMEM((_NUM_CLASSES - 1, _COLS), jnp.float32),
            pltpu.VMEM((_NUM_CLASSES, _COLS), jnp.int32),
            pltpu.VMEM((2, _SC_CHUNK, _COLS), jnp.float32),
            pltpu.VMEM((2, _SC_CHUNK, _COLS), jnp.int32),
            pltpu.SemaphoreType.DMA((2,)),
            pltpu.SemaphoreType.DMA((2,)),
        ],
        cost_estimate=pl.CostEstimate(
            flops=18 * _ROWS * _COLS,
            bytes_accessed=8 * _ROWS * _COLS,
            transcendentals=0),
    )(x, s, lut)


def _setup(x):
    num_classes = _NUM_CLASSES
    key = jax.random.key(42)
    k1, k2, k3, k4 = jax.random.split(key, 4)

    boundary_idx = jax.random.randint(k1, (num_classes - 1,), 0, x.shape[0])
    randomized = jax.random.uniform(k2, (x.shape[1],)) > 0.5
    perm = jax.random.permutation(k3, num_classes)
    reverse = jax.random.uniform(k4, (x.shape[1],)) > 0.5

    s = jnp.sort(x[boundary_idx], axis=0)
    lut = jnp.where(randomized[None, :], perm[:, None],
                    jnp.arange(num_classes, dtype=perm.dtype)[:, None])
    lut = jnp.where(reverse[None, :], num_classes - 1 - lut, lut)
    return s, lut


def kernel(x):
    s, lut = _setup(x)
    return _sc_rank(x, s, lut)

# --- scband reference (transcript-rebuilt; emitter-appended) ---
"""Pipeline reference for scband-multiclass-rank-65008624992649 (READ-ONLY COPY).

The authoritative reference and input builder live on the scoring server;
editing this copy changes nothing except your own understanding.
"""

import jax, jax.numpy as jnp
import numpy as np

NUM_CLASSES = 10   # fixed draw of class_sampler_f(2, num_classes) for determinism
ORDERED_P = 0.5


def setup_inputs(seed: int = 0) -> dict:
    key = jax.random.key(seed)
    x = jax.random.normal(key, (8192, 2048), dtype=jnp.float32)
    return {"x": x}


def reference(x):
    num_classes = NUM_CLASSES
    key = jax.random.key(42)
    k1, k2, k3, k4 = jax.random.split(key, 4)

    # class_boundaries = torch.randint(0, x.shape[0], (num_classes - 1,))
    boundary_idx = jax.random.randint(k1, (num_classes - 1,), 0, x.shape[0])
    # class_boundaries = x[class_boundaries].unsqueeze(1)  -> [C-1, 1, B]
    class_boundaries = x[boundary_idx][:, None, :]

    # d = (x > class_boundaries).sum(axis=0)  -> broadcast [C-1, N, B] -> sum -> [N, B]
    d = (x[None, :, :] > class_boundaries).sum(axis=0)

    # randomized_classes = torch.rand((d.shape[1],)) > ordered_p
    randomized_classes = jax.random.uniform(k2, (d.shape[1],)) > ORDERED_P
    # randomize_classes: map class c -> perm[c] (random relabeling)
    perm = jax.random.permutation(k3, num_classes)
    d_randomized = jnp.take(perm, d)
    d = jnp.where(randomized_classes[None, :], d_randomized, d)

    # reverse_classes = torch.rand((d.shape[1],)) > 0.5
    reverse_classes = jax.random.uniform(k4, (d.shape[1],)) > 0.5
    d = jnp.where(reverse_classes[None, :], num_classes - 1 - d, d)
    return d

if __name__ == "__main__":
    import jax
    _d = setup_inputs()
    print(jax.jit(kernel)(*tuple(_d.values())))

</pallas_src>

<mosaic_0001>
#map = affine_map<(d0, d1) -> (0, 0)>
module attributes {stable_mosaic.version = 14 : i64} {
  func.func @_sc_body(%arg0: i32, %arg1: i32, %arg2: memref<8192x2048xf32, #tpu.memory_space<hbm>>, %arg3: memref<9x2048xf32, #tpu.memory_space<hbm>>, %arg4: memref<10x2048xi32, #tpu.memory_space<hbm>>, %arg5: memref<8192x2048xi32, #tpu.memory_space<hbm>>, %arg6: memref<9x2048xf32, #tpu.memory_space<vmem>>, %arg7: memref<10x2048xi32, #tpu.memory_space<vmem>>, %arg8: memref<2x4x2048xf32, #tpu.memory_space<vmem>>, %arg9: memref<2x4x2048xi32, #tpu.memory_space<vmem>>, %arg10: memref<2x!tpu.dma_semaphore, #tpu.memory_space<semaphore_mem>>, %arg11: memref<2x!tpu.dma_semaphore, #tpu.memory_space<semaphore_mem>>) attributes {dimension_semantics = [#tpu.dimension_semantics<core_parallel>, #tpu.dimension_semantics<subcore_parallel>], iteration_bounds = array<i64: 2, 16>, scalar_prefetch = 0 : i64, scratch_operands = 6 : i64, tpu.core_type = #tpu.core_type<sc_vector_subcore>, window_params = [{transform_indices = #map}, {transform_indices = #map}, {transform_indices = #map}, {transform_indices = #map}]} {
    %mul3A = arith.constant 2 : i32
    %mul3A_0 = arith.muli %arg1, %mul3A : i32
    %add3A = arith.addi %mul3A_0, %arg0 : i32
    %mul3A_1 = arith.constant 256 : i32
    %mul3A_2 = arith.muli %add3A, %mul3A_1 : i32
    "tpu.region"() ({
      %run_scoped3A = tpu.sem_alloc : memref<!tpu.dma_semaphore, #tpu.memory_space<semaphore_mem>>
      tpu.enqueue_dma source(%arg3 : memref<9x2048xf32, #tpu.memory_space<hbm>>) target(%arg6 : memref<9x2048xf32, #tpu.memory_space<vmem>>) target_semaphore(%run_scoped3A : memref<!tpu.dma_semaphore, #tpu.memory_space<semaphore_mem>>)
      tpu.wait_dma2 semaphore(%run_scoped3A : memref<!tpu.dma_semaphore, #tpu.memory_space<semaphore_mem>>) src(%arg3 : memref<9x2048xf32, #tpu.memory_space<hbm>>) dst(%arg6 : memref<9x2048xf32, #tpu.memory_space<vmem>>)
      tpu.yield
    }) : () -> ()
    "tpu.region"() ({
      %run_scoped3A = tpu.sem_alloc : memref<!tpu.dma_semaphore, #tpu.memory_space<semaphore_mem>>
      tpu.enqueue_dma source(%arg4 : memref<10x2048xi32, #tpu.memory_space<hbm>>) target(%arg7 : memref<10x2048xi32, #tpu.memory_space<vmem>>) target_semaphore(%run_scoped3A : memref<!tpu.dma_semaphore, #tpu.memory_space<semaphore_mem>>)
      tpu.wait_dma2 semaphore(%run_scoped3A : memref<!tpu.dma_semaphore, #tpu.memory_space<semaphore_mem>>) src(%arg4 : memref<10x2048xi32, #tpu.memory_space<hbm>>) dst(%arg7 : memref<10x2048xi32, #tpu.memory_space<vmem>>)
      tpu.yield
    }) : () -> ()
    %add3A_3 = arith.constant 0 : i32
    %add3A_4 = arith.addi %mul3A_2, %add3A_3 : i32
    %dma_start3A = arith.constant 0 : i32
    %dma_start3A_5 = arith.constant 0 : i32
    %dma_start3A_6 = arith.constant 0 : i32
    %dma_start3A_7 = arith.constant 0 : i32
    %dma_start3A_8 = tpu.memref_slice %arg8[%dma_start3A, %dma_start3A_6, %dma_start3A_7] : memref<2x4x2048xf32, #tpu.memory_space<vmem>> -> memref<1x4x2048xf32, #tpu.memory_space<vmem>>
    %dma_start3A_9 = tpu.memref_squeeze %dma_start3A_8 : memref<1x4x2048xf32, #tpu.memory_space<vmem>> -> memref<4x2048xf32, #tpu.memory_space<vmem>>
    %dma_start3A_10 = arith.constant 0 : i32
    %dma_start3A_11 = tpu.memref_slice %arg2[%add3A_4, %dma_start3A_10] : memref<8192x2048xf32, #tpu.memory_space<hbm>> -> memref<4x2048xf32, #tpu.memory_space<hbm>>
    %dma_start3A_12 = tpu.memref_slice %arg10[%dma_start3A_5] : memref<2x!tpu.dma_semaphore, #tpu.memory_space<semaphore_mem>> -> memref<1x!tpu.dma_semaphore, #tpu.memory_space<semaphore_mem>>
    %dma_start3A_13 = tpu.memref_squeeze %dma_start3A_12 : memref<1x!tpu.dma_semaphore, #tpu.memory_space<semaphore_mem>> -> memref<!tpu.dma_semaphore, #tpu.memory_space<semaphore_mem>>
    %dma_start3A_14 = arith.constant 0 : i32
    %dma_start3A_15 = arith.constant 0 : i32
    %dma_start3A_16 = tpu.memref_slice %arg8[%dma_start3A, %dma_start3A_14, %dma_start3A_15] : memref<2x4x2048xf32, #tpu.memory_space<vmem>> -> memref<1x4x2048xf32, #tpu.memory_space<vmem>>
    %dma_start3A_17 = tpu.memref_squeeze %dma_start3A_16 : memref<1x4x2048xf32, #tpu.memory_space<vmem>> -> memref<4x2048xf32, #tpu.memory_space<vmem>>
    %dma_start3A_18 = arith.constant 0 : i32
    %dma_start3A_19 = tpu.memref_slice %arg2[%add3A_4, %dma_start3A_18] : memref<8192x2048xf32, #tpu.memory_space<hbm>> -> memref<4x2048xf32, #tpu.memory_space<hbm>>
    tpu.enqueue_dma source(%dma_start3A_19 : memref<4x2048xf32, #tpu.memory_space<hbm>>) target(%dma_start3A_17 : memref<4x2048xf32, #tpu.memory_space<vmem>>) target_semaphore(%dma_start3A_13 : memref<!tpu.dma_semaphore, #tpu.memory_space<semaphore_mem>>)
    %scan3A = arith.constant 0 : i32
    %scan3A_20 = arith.constant 0 : i32
    %scan3A_21 = arith.constant 32 : i32
    %scan3A_22 = arith.addi %scan3A_20, %scan3A_21 : i32
    %scan3A_23 = arith.constant 1 : i32
    scf.for %scan3A_60 = %scan3A_20 to %scan3A_22 step %scan3A_23  : i32 {
      %mul3A_61 = arith.constant 2 : i32
      %mul3A_62 = arith.muli %scan3A_60, %mul3A_61 : i32
      %add3A_63 = arith.constant 0 : i32
      %add3A_64 = arith.addi %mul3A_62, %add3A_63 : i32
      %add3A_65 = arith.constant 1 : i32
      %add3A_66 = arith.addi %add3A_64, %add3A_65 : i32
      %lt3A = arith.constant 64 : i32
      %lt3A_67 = arith.cmpi slt, %add3A_66, %lt3A : i32
      %convert_element_type3A = arith.extui %lt3A_67 : i1 to i32
      %cond3A = arith.constant 0 : i32
      %cond3A_68 = arith.cmpi ne, %convert_element_type3A, %cond3A : i32
      scf.if %cond3A_68 {
        %add3A_170 = arith.constant 1 : i32
        %add3A_171 = arith.addi %add3A_64, %add3A_170 : i32
        %mul3A_172 = arith.constant 4 : i32
        %mul3A_173 = arith.muli %add3A_171, %mul3A_172 : i32
        %add3A_174 = arith.addi %mul3A_2, %mul3A_173 : i32
        %dma_start3A_175 = arith.constant 1 : i32
        %dma_start3A_176 = arith.constant 1 : i32
        %dma_start3A_177 = arith.constant 0 : i32
        %dma_start3A_178 = arith.constant 0 : i32
        %dma_start3A_179 = tpu.memref_slice %arg8[%dma_start3A_175, %dma_start3A_177, %dma_start3A_178] : memref<2x4x2048xf32, #tpu.memory_space<vmem>> -> memref<1x4x2048xf32, #tpu.memory_space<vmem>>
        %dma_start3A_180 = tpu.memref_squeeze %dma_start3A_179 : memref<1x4x2048xf32, #tpu.memory_space<vmem>> -> memref<4x2048xf32, #tpu.memory_space<vmem>>
        %dma_start3A_181 = arith.constant 0 : i32
        %dma_start3A_182 = tpu.memref_slice %arg2[%add3A_174, %dma_start3A_181] : memref<8192x2048xf32, #tpu.memory_space<hbm>> -> memref<4x2048xf32, #tpu.memory_space<hbm>>
        %dma_start3A_183 = tpu.memref_slice %arg10[%dma_start3A_176] : memref<2x!tpu.dma_semaphore, #tpu.memory_space<semaphore_mem>> -> memref<1x!tpu.dma_semaphore, #tpu.memory_space<semaphore_mem>>
        %dma_start3A_184 = tpu.memref_squeeze %dma_start3A_183 : memref<1x!tpu.dma_semaphore, #tpu.memory_space<semaphore_mem>> -> memref<!tpu.dma_semaphore, #tpu.memory_space<semaphore_mem>>
        %dma_start3A_185 = arith.constant 0 : i32
        %dma_start3A_186 = arith.constant 0 : i32
        %dma_start3A_187 = tpu.memref_slice %arg8[%dma_start3A_175, %dma_start3A_185, %dma_start3A_186] : memref<2x4x2048xf32, #tpu.memory_space<vmem>> -> memref<1x4x2048xf32, #tpu.memory_space<vmem>>
        %dma_start3A_188 = tpu.memref_squeeze %dma_start3A_187 : memref<1x4x2048xf32, #tpu.memory_space<vmem>> -> memref<4x2048xf32, #tpu.memory_space<vmem>>
        %dma_start3A_189 = arith.constant 0 : i32
        %dma_start3A_190 = tpu.memref_slice %arg2[%add3A_174, %dma_start3A_189] : memref<8192x2048xf32, #tpu.memory_space<hbm>> -> memref<4x2048xf32, #tpu.memory_space<hbm>>
        tpu.enqueue_dma source(%dma_start3A_190 : memref<4x2048xf32, #tpu.memory_space<hbm>>) target(%dma_start3A_188 : memref<4x2048xf32, #tpu.memory_space<vmem>>) target_semaphore(%dma_start3A_184 : memref<!tpu.dma_semaphore, #tpu.memory_space<semaphore_mem>>)
      } else {
      }
      %mul3A_69 = arith.constant 4 : i32
      %mul3A_70 = arith.muli %add3A_64, %mul3A_69 : i32
      %add3A_71 = arith.addi %mul3A_2, %mul3A_70 : i32
      %dma_wait3A_72 = arith.constant 0 : i32
      %dma_wait3A_73 = arith.constant 0 : i32
      %dma_wait3A_74 = arith.constant 0 : i32
      %dma_wait3A_75 = arith.constant 0 : i32
      %dma_wait3A_76 = tpu.memref_slice %arg8[%dma_wait3A_72, %dma_wait3A_74, %dma_wait3A_75] : memref<2x4x2048xf32, #tpu.memory_space<vmem>> -> memref<1x4x2048xf32, #tpu.memory_space<vmem>>
      %dma_wait3A_77 = tpu.memref_squeeze %dma_wait3A_76 : memref<1x4x2048xf32, #tpu.memory_space<vmem>> -> memref<4x2048xf32, #tpu.memory_space<vmem>>
      %dma_wait3A_78 = arith.constant 0 : i32
      %dma_wait3A_79 = tpu.memref_slice %arg2[%add3A_71, %dma_wait3A_78] : memref<8192x2048xf32, #tpu.memory_space<hbm>> -> memref<4x2048xf32, #tpu.memory_space<hbm>>
      %dma_wait3A_80 = tpu.memref_slice %arg10[%dma_wait3A_73] : memref<2x!tpu.dma_semaphore, #tpu.memory_space<semaphore_mem>> -> memref<1x!tpu.dma_semaphore, #tpu.memory_space<semaphore_mem>>
      %dma_wait3A_81 = tpu.memref_squeeze %dma_wait3A_80 : memref<1x!tpu.dma_semaphore, #tpu.memory_space<semaphore_mem>> -> memref<!tpu.dma_semaphore, #tpu.memory_space<semaphore_mem>>
      %dma_wait3A_82 = arith.constant 0 : i32
      %dma_wait3A_83 = arith.constant 0 : i32
      %dma_wait3A_84 = tpu.memref_slice %arg8[%dma_wait3A_72, %dma_wait3A_82, %dma_wait3A_83] : memref<2x4x2048xf32, #tpu.memory_space<vmem>> -> memref<1x4x2048xf32, #tpu.memory_space<vmem>>
      %dma_wait3A_85 = tpu.memref_squeeze %dma_wait3A_84 : memref<1x4x2048xf32, #tpu.memory_space<vmem>> -> memref<4x2048xf32, #tpu.memory_space<vmem>>
      %dma_wait3A_86 = arith.constant 0 : i32
      %dma_wait3A_87 = tpu.memref_slice %arg2[%add3A_71, %dma_wait3A_86] : memref<8192x2048xf32, #tpu.memory_space<hbm>> -> memref<4x2048xf32, #tpu.memory_space<hbm>>
      tpu.wait_dma2 semaphore(%dma_wait3A_81 : memref<!tpu.dma_semaphore, #tpu.memory_space<semaphore_mem>>) src(%dma_wait3A_87 : memref<4x2048xf32, #tpu.memory_space<hbm>>) dst(%dma_wait3A_85 : memref<4x2048xf32, #tpu.memory_space<vmem>>)
      %ge3A = arith.constant 2 : i32
      %ge3A_88 = arith.cmpi sge, %add3A_64, %ge3A : i32
      %convert_element_type3A_89 = arith.extui %ge3A_88 : i1 to i32
      %cond3A_90 = arith.constant 0 : i32
      %cond3A_91 = arith.cmpi ne, %convert_element_type3A_89, %cond3A_90 : i32
      scf.if %cond3A_91 {
        %sub3A = arith.constant 2 : i32
        %sub3A_170 = arith.subi %add3A_64, %sub3A : i32
        %mul3A_171 = arith.constant 4 : i32
        %mul3A_172 = arith.muli %sub3A_170, %mul3A_171 : i32
        %add3A_173 = arith.addi %mul3A_2, %mul3A_172 : i32
        %dma_wait3A_174 = arith.constant 0 : i32
        %dma_wait3A_175 = arith.constant 0 : i32
        %dma_wait3A_176 = arith.constant 0 : i32
        %dma_wait3A_177 = arith.constant 0 : i32
        %dma_wait3A_178 = tpu.memref_slice %arg9[%dma_wait3A_174, %dma_wait3A_176, %dma_wait3A_177] : memref<2x4x2048xi32, #tpu.memory_space<vmem>> -> memref<1x4x2048xi32, #tpu.memory_space<vmem>>
        %dma_wait3A_179 = tpu.memref_squeeze %dma_wait3A_178 : memref<1x4x2048xi32, #tpu.memory_space<vmem>> -> memref<4x2048xi32, #tpu.memory_space<vmem>>
        %dma_wait3A_180 = arith.constant 0 : i32
        %dma_wait3A_181 = tpu.memref_slice %arg5[%add3A_173, %dma_wait3A_180] : memref<8192x2048xi32, #tpu.memory_space<hbm>> -> memref<4x2048xi32, #tpu.memory_space<hbm>>
        %dma_wait3A_182 = tpu.memref_slice %arg11[%dma_wait3A_175] : memref<2x!tpu.dma_semaphore, #tpu.memory_space<semaphore_mem>> -> memref<1x!tpu.dma_semaphore, #tpu.memory_space<semaphore_mem>>
        %dma_wait3A_183 = tpu.memref_squeeze %dma_wait3A_182 : memref<1x!tpu.dma_semaphore, #tpu.memory_space<semaphore_mem>> -> memref<!tpu.dma_semaphore, #tpu.memory_space<semaphore_mem>>
        %dma_wait3A_184 = arith.constant 0 : i32
        %dma_wait3A_185 = tpu.memref_slice %arg5[%add3A_173, %dma_wait3A_184] : memref<8192x2048xi32, #tpu.memory_space<hbm>> -> memref<4x2048xi32, #tpu.memory_space<hbm>>
        %dma_wait3A_186 = arith.constant 0 : i32
        %dma_wait3A_187 = arith.constant 0 : i32
        %dma_wait3A_188 = tpu.memref_slice %arg9[%dma_wait3A_174, %dma_wait3A_186, %dma_wait3A_187] : memref<2x4x2048xi32, #tpu.memory_space<vmem>> -> memref<1x4x2048xi32, #tpu.memory_space<vmem>>
        %dma_wait3A_189 = tpu.memref_squeeze %dma_wait3A_188 : memref<1x4x2048xi32, #tpu.memory_space<vmem>> -> memref<4x2048xi32, #tpu.memory_space<vmem>>
        tpu.wait_dma2 semaphore(%dma_wait3A_183 : memref<!tpu.dma_semaphore, #tpu.memory_space<semaphore_mem>>) src(%dma_wait3A_189 : memref<4x2048xi32, #tpu.memory_space<vmem>>) dst(%dma_wait3A_185 : memref<4x2048xi32, #tpu.memory_space<hbm>>)
      } else {
      }
      %parallel_loop3A = arith.constant 0 : i32
      %parallel_loop3A_92 = arith.constant 128 : i32
      %parallel_loop3A_93 = arith.constant 1 : i32
      scf.for %parallel_loop3A_170 = %parallel_loop3A to %parallel_loop3A_92 step %parallel_loop3A_93  : i32 {
        %parallel_loop3A_171 = arith.constant 16 : i32
        %parallel_loop3A_172 = arith.muli %parallel_loop3A_170, %parallel_loop3A_171 : i32
        %parallel_loop3A_173 = tpu.assume_multiple %parallel_loop3A_172, 16 : i32
        %parallel_loop3A_174 = arith.constant 0 : i32
        %parallel_loop3A_175 = arith.index_cast %parallel_loop3A_174 : i32 to index
        %parallel_loop3A_176 = arith.index_cast %parallel_loop3A_173 : i32 to index
        %parallel_loop3A_177 = tpu.vector_load %arg6[%parallel_loop3A_175, %parallel_loop3A_176] {strides = array<i32>} : memref<9x2048xf32, #tpu.memory_space<vmem>>, vector<1x16xf32>,
        %parallel_loop3A_178 = vector.shape_cast %parallel_loop3A_177 : vector<1x16xf32> to vector<16xf32>
        %parallel_loop3A_179 = arith.constant 1 : i32
        %parallel_loop3A_180 = arith.index_cast %parallel_loop3A_179 : i32 to index
        %parallel_loop3A_181 = arith.index_cast %parallel_loop3A_173 : i32 to index
        %parallel_loop3A_182 = tpu.vector_load %arg6[%parallel_loop3A_180, %parallel_loop3A_181] {strides = array<i32>} : memref<9x2048xf32, #tpu.memory_space<vmem>>, vector<1x16xf32>,
        %parallel_loop3A_183 = vector.shape_cast %parallel_loop3A_182 : vector<1x16xf32> to vector<16xf32>
        %parallel_loop3A_184 = arith.constant 2 : i32
        %parallel_loop3A_185 = arith.index_cast %parallel_loop3A_184 : i32 to index
        %parallel_loop3A_186 = arith.index_cast %parallel_loop3A_173 : i32 to index
        %parallel_loop3A_187 = tpu.vector_load %arg6[%parallel_loop3A_185, %parallel_loop3A_186] {strides = array<i32>} : memref<9x2048xf32, #tpu.memory_space<vmem>>, vector<1x16xf32>,
        %parallel_loop3A_188 = vector.shape_cast %parallel_loop3A_187 : vector<1x16xf32> to vector<16xf32>
        %parallel_loop3A_189 = arith.constant 3 : i32
        %parallel_loop3A_190 = arith.index_cast %parallel_loop3A_189 : i32 to index
        %parallel_loop3A_191 = arith.index_cast %parallel_loop3A_173 : i32 to index
        %parallel_loop3A_192 = tpu.vector_load %arg6[%parallel_loop3A_190, %parallel_loop3A_191] {strides = array<i32>} : memref<9x2048xf32, #tpu.memory_space<vmem>>, vector<1x16xf32>,
        %parallel_loop3A_193 = vector.shape_cast %parallel_loop3A_192 : vector<1x16xf32> to vector<16xf32>
        %parallel_loop3A_194 = arith.constant 4 : i32
        %parallel_loop3A_195 = arith.index_cast %parallel_loop3A_194 : i32 to index
        %parallel_loop3A_196 = arith.index_cast %parallel_loop3A_173 : i32 to index
        %parallel_loop3A_197 = tpu.vector_load %arg6[%parallel_loop3A_195, %parallel_loop3A_196] {strides = array<i32>} : memref<9x2048xf32, #tpu.memory_space<vmem>>, vector<1x16xf32>,
        %parallel_loop3A_198 = vector.shape_cast %parallel_loop3A_197 : vector<1x16xf32> to vector<16xf32>
        %parallel_loop3A_199 = arith.constant 5 : i32
        %parallel_loop3A_200 = arith.index_cast %parallel_loop3A_199 : i32 to index
        %parallel_loop3A_201 = arith.index_cast %parallel_loop3A_173 : i32 to index
        %parallel_loop3A_202 = tpu.vector_load %arg6[%parallel_loop3A_200, %parallel_loop3A_201] {strides = array<i32>} : memref<9x2048xf32, #tpu.memory_space<vmem>>, vector<1x16xf32>,
        %parallel_loop3A_203 = vector.shape_cast %parallel_loop3A_202 : vector<1x16xf32> to vector<16xf32>
        %parallel_loop3A_204 = arith.constant 6 : i32
        %parallel_loop3A_205 = arith.index_cast %parallel_loop3A_204 : i32 to index
        %parallel_loop3A_206 = arith.index_cast %parallel_loop3A_173 : i32 to index
        %parallel_loop3A_207 = tpu.vector_load %arg6[%parallel_loop3A_205, %parallel_loop3A_206] {strides = array<i32>} : memref<9x2048xf32, #tpu.memory_space<vmem>>, vector<1x16xf32>,
        %parallel_loop3A_208 = vector.shape_cast %parallel_loop3A_207 : vector<1x16xf32> to vector<16xf32>
        %parallel_loop3A_209 = arith.constant 7 : i32
        %parallel_loop3A_210 = arith.index_cast %parallel_loop3A_209 : i32 to index
        %parallel_loop3A_211 = arith.index_cast %parallel_loop3A_173 : i32 to index
        %parallel_loop3A_212 = tpu.vector_load %arg6[%parallel_loop3A_210, %parallel_loop3A_211] {strides = array<i32>} : memref<9x2048xf32, #tpu.memory_space<vmem>>, vector<1x16xf32>,
        %parallel_loop3A_213 = vector.shape_cast %parallel_loop3A_212 : vector<1x16xf32> to vector<16xf32>
        %parallel_loop3A_214 = arith.constant 8 : i32
        %parallel_loop3A_215 = arith.index_cast %parallel_loop3A_214 : i32 to index
        %parallel_loop3A_216 = arith.index_cast %parallel_loop3A_173 : i32 to index
        %parallel_loop3A_217 = tpu.vector_load %arg6[%parallel_loop3A_215, %parallel_loop3A_216] {strides = array<i32>} : memref<9x2048xf32, #tpu.memory_space<vmem>>, vector<1x16xf32>,
        %parallel_loop3A_218 = vector.shape_cast %parallel_loop3A_217 : vector<1x16xf32> to vector<16xf32>
        %parallel_loop3A_219 = arith.constant 0 : i32
        %parallel_loop3A_220 = arith.index_cast %parallel_loop3A_219 : i32 to index
        %parallel_loop3A_221 = arith.index_cast %parallel_loop3A_173 : i32 to index
        %parallel_loop3A_222 = tpu.vector_load %arg7[%parallel_loop3A_220, %parallel_loop3A_221] {strides = array<i32>} : memref<10x2048xi32, #tpu.memory_space<vmem>>, vector<1x16xi32>,
        %parallel_loop3A_223 = vector.shape_cast %parallel_loop3A_222 : vector<1x16xi32> to vector<16xi32>
        %parallel_loop3A_224 = arith.constant 1 : i32
        %parallel_loop3A_225 = arith.index_cast %parallel_loop3A_224 : i32 to index
        %parallel_loop3A_226 = arith.index_cast %parallel_loop3A_173 : i32 to index
        %parallel_loop3A_227 = tpu.vector_load %arg7[%parallel_loop3A_225, %parallel_loop3A_226] {strides = array<i32>} : memref<10x2048xi32, #tpu.memory_space<vmem>>, vector<1x16xi32>,
        %parallel_loop3A_228 = vector.shape_cast %parallel_loop3A_227 : vector<1x16xi32> to vector<16xi32>
        %parallel_loop3A_229 = arith.constant 2 : i32
        %parallel_loop3A_230 = arith.index_cast %parallel_loop3A_229 : i32 to index
        %parallel_loop3A_231 = arith.index_cast %parallel_loop3A_173 : i32 to index
        %parallel_loop3A_232 = tpu.vector_load %arg7[%parallel_loop3A_230, %parallel_loop3A_231] {strides = array<i32>} : memref<10x2048xi32, #tpu.memory_space<vmem>>, vector<1x16xi32>,
        %parallel_loop3A_233 = vector.shape_cast %parallel_loop3A_232 : vector<1x16xi32> to vector<16xi32>
        %parallel_loop3A_234 = arith.constant 3 : i32
        %parallel_loop3A_235 = arith.index_cast %parallel_loop3A_234 : i32 to index
        %parallel_loop3A_236 = arith.index_cast %parallel_loop3A_173 : i32 to index
        %parallel_loop3A_237 = tpu.vector_load %arg7[%parallel_loop3A_235, %parallel_loop3A_236] {strides = array<i32>} : memref<10x2048xi32, #tpu.memory_space<vmem>>, vector<1x16xi32>,
        %parallel_loop3A_238 = vector.shape_cast %parallel_loop3A_237 : vector<1x16xi32> to vector<16xi32>
        %parallel_loop3A_239 = arith.constant 4 : i32
        %parallel_loop3A_240 = arith.index_cast %parallel_loop3A_239 : i32 to index
        %parallel_loop3A_241 = arith.index_cast %parallel_loop3A_173 : i32 to index
        %parallel_loop3A_242 = tpu.vector_load %arg7[%parallel_loop3A_240, %parallel_loop3A_241] {strides = array<i32>} : memref<10x2048xi32, #tpu.memory_space<vmem>>, vector<1x16xi32>,
        %parallel_loop3A_243 = vector.shape_cast %parallel_loop3A_242 : vector<1x16xi32> to vector<16xi32>
        %parallel_loop3A_244 = arith.constant 5 : i32
        %parallel_loop3A_245 = arith.index_cast %parallel_loop3A_244 : i32 to index
        %parallel_loop3A_246 = arith.index_cast %parallel_loop3A_173 : i32 to index
        %parallel_loop3A_247 = tpu.vector_load %arg7[%parallel_loop3A_245, %parallel_loop3A_246] {strides = array<i32>} : memref<10x2048xi32, #tpu.memory_space<vmem>>, vector<1x16xi32>,
        %parallel_loop3A_248 = vector.shape_cast %parallel_loop3A_247 : vector<1x16xi32> to vector<16xi32>
        %parallel_loop3A_249 = arith.constant 6 : i32
        %parallel_loop3A_250 = arith.index_cast %parallel_loop3A_249 : i32 to index
        %parallel_loop3A_251 = arith.index_cast %parallel_loop3A_173 : i32 to index
        %parallel_loop3A_252 = tpu.vector_load %arg7[%parallel_loop3A_250, %parallel_loop3A_251] {strides = array<i32>} : memref<10x2048xi32, #tpu.memory_space<vmem>>, vector<1x16xi32>,
        %parallel_loop3A_253 = vector.shape_cast %parallel_loop3A_252 : vector<1x16xi32> to vector<16xi32>
        %parallel_loop3A_254 = arith.constant 7 : i32
        %parallel_loop3A_255 = arith.index_cast %parallel_loop3A_254 : i32 to index
        %parallel_loop3A_256 = arith.index_cast %parallel_loop3A_173 : i32 to index
        %parallel_loop3A_257 = tpu.vector_load %arg7[%parallel_loop3A_255, %parallel_loop3A_256] {strides = array<i32>} : memref<10x2048xi32, #tpu.memory_space<vmem>>, vector<1x16xi32>,
        %parallel_loop3A_258 = vector.shape_cast %parallel_loop3A_257 : vector<1x16xi32> to vector<16xi32>
        %parallel_loop3A_259 = arith.constant 8 : i32
        %parallel_loop3A_260 = arith.index_cast %parallel_loop3A_259 : i32 to index
        %parallel_loop3A_261 = arith.index_cast %parallel_loop3A_173 : i32 to index
        %parallel_loop3A_262 = tpu.vector_load %arg7[%parallel_loop3A_260, %parallel_loop3A_261] {strides = array<i32>} : memref<10x2048xi32, #tpu.memory_space<vmem>>, vector<1x16xi32>,
        %parallel_loop3A_263 = vector.shape_cast %parallel_loop3A_262 : vector<1x16xi32> to vector<16xi32>
        %parallel_loop3A_264 = arith.constant 9 : i32
        %parallel_loop3A_265 = arith.index_cast %parallel_loop3A_264 : i32 to index
        %parallel_loop3A_266 = arith.index_cast %parallel_loop3A_173 : i32 to index
        %parallel_loop3A_267 = tpu.vector_load %arg7[%parallel_loop3A_265, %parallel_loop3A_266] {strides = array<i32>} : memref<10x2048xi32, #tpu.memory_space<vmem>>, vector<1x16xi32>,
        %parallel_loop3A_268 = vector.shape_cast %parallel_loop3A_267 : vector<1x16xi32> to vector<16xi32>
        %parallel_loop3A_269 = arith.constant 0 : i32
        %parallel_loop3A_270 = arith.constant 0 : i32
        %parallel_loop3A_271 = arith.index_cast %parallel_loop3A_269 : i32 to index
        %parallel_loop3A_272 = arith.index_cast %parallel_loop3A_270 : i32 to index
        %parallel_loop3A_273 = arith.index_cast %parallel_loop3A_173 : i32 to index
        %parallel_loop3A_274 = tpu.vector_load %arg8[%parallel_loop3A_271, %parallel_loop3A_272, %parallel_loop3A_273] {strides = array<i32>} : memref<2x4x2048xf32, #tpu.memory_space<vmem>>, vector<1x1x16xf32>,
        %parallel_loop3A_275 = vector.shape_cast %parallel_loop3A_274 : vector<1x1x16xf32> to vector<16xf32>
        %parallel_loop3A_276 = arith.cmpf ogt, %parallel_loop3A_275, %parallel_loop3A_178 : vector<16xf32>
        %parallel_loop3A_277 = arith.cmpf ogt, %parallel_loop3A_275, %parallel_loop3A_183 : vector<16xf32>
        %parallel_loop3A_278 = arith.cmpf ogt, %parallel_loop3A_275, %parallel_loop3A_188 : vector<16xf32>
        %parallel_loop3A_279 = arith.cmpf ogt, %parallel_loop3A_275, %parallel_loop3A_193 : vector<16xf32>
        %parallel_loop3A_280 = arith.cmpf ogt, %parallel_loop3A_275, %parallel_loop3A_198 : vector<16xf32>
        %parallel_loop3A_281 = arith.cmpf ogt, %parallel_loop3A_275, %parallel_loop3A_203 : vector<16xf32>
        %parallel_loop3A_282 = arith.cmpf ogt, %parallel_loop3A_275, %parallel_loop3A_208 : vector<16xf32>
        %parallel_loop3A_283 = arith.cmpf ogt, %parallel_loop3A_275, %parallel_loop3A_213 : vector<16xf32>
        %parallel_loop3A_284 = arith.cmpf ogt, %parallel_loop3A_275, %parallel_loop3A_218 : vector<16xf32>
        %parallel_loop3A_285 = arith.select %parallel_loop3A_283, %parallel_loop3A_263, %parallel_loop3A_258 : vector<16xi1>, vector<16xi32>
        %parallel_loop3A_286 = arith.select %parallel_loop3A_284, %parallel_loop3A_268, %parallel_loop3A_285 : vector<16xi1>, vector<16xi32>
        %parallel_loop3A_287 = arith.select %parallel_loop3A_281, %parallel_loop3A_253, %parallel_loop3A_248 : vector<16xi1>, vector<16xi32>
        %parallel_loop3A_288 = arith.select %parallel_loop3A_282, %parallel_loop3A_286, %parallel_loop3A_287 : vector<16xi1>, vector<16xi32>
        %parallel_loop3A_289 = arith.select %parallel_loop3A_278, %parallel_loop3A_238, %parallel_loop3A_233 : vector<16xi1>, vector<16xi32>
        %parallel_loop3A_290 = arith.select %parallel_loop3A_279, %parallel_loop3A_243, %parallel_loop3A_289 : vector<16xi1>, vector<16xi32>
        %parallel_loop3A_291 = arith.select %parallel_loop3A_276, %parallel_loop3A_228, %parallel_loop3A_223 : vector<16xi1>, vector<16xi32>
        %parallel_loop3A_292 = arith.select %parallel_loop3A_277, %parallel_loop3A_290, %parallel_loop3A_291 : vector<16xi1>, vector<16xi32>
        %parallel_loop3A_293 = arith.select %parallel_loop3A_280, %parallel_loop3A_288, %parallel_loop3A_292 : vector<16xi1>, vector<16xi32>
        %parallel_loop3A_294 = arith.constant 0 : i32
        %parallel_loop3A_295 = arith.constant 0 : i32
        %parallel_loop3A_296 = arith.index_cast %parallel_loop3A_294 : i32 to index
        %parallel_loop3A_297 = arith.index_cast %parallel_loop3A_295 : i32 to index
        %parallel_loop3A_298 = arith.index_cast %parallel_loop3A_173 : i32 to index
        %parallel_loop3A_299 = tpu.vector_load %arg9[%parallel_loop3A_296, %parallel_loop3A_297, %parallel_loop3A_298] {strides = array<i32>} : memref<2x4x2048xi32, #tpu.memory_space<vmem>>, vector<1x1x16xi32>,
        %parallel_loop3A_300 = vector.shape_cast %parallel_loop3A_299 : vector<1x1x16xi32> to vector<16xi32>
        %parallel_loop3A_301 = vector.shape_cast %parallel_loop3A_293 : vector<16xi32> to vector<1x1x16xi32>
        tpu.vector_store %arg9[%parallel_loop3A_296, %parallel_loop3A_297, %parallel_loop3A_298], %parallel_loop3A_301 {strides = array<i32>} : memref<2x4x2048xi32, #tpu.memory_space<vmem>>, vector<1x1x16xi32>,
        %parallel_loop3A_302 = arith.constant 0 : i32
        %parallel_loop3A_303 = arith.constant 1 : i32
        %parallel_loop3A_304 = arith.index_cast %parallel_loop3A_302 : i32 to index
        %parallel_loop3A_305 = arith.index_cast %parallel_loop3A_303 : i32 to index
        %parallel_loop3A_306 = arith.index_cast %parallel_loop3A_173 : i32 to index
        %parallel_loop3A_307 = tpu.vector_load %arg8[%parallel_loop3A_304, %parallel_loop3A_305, %parallel_loop3A_306] {strides = array<i32>} : memref<2x4x2048xf32, #tpu.memory_space<vmem>>, vector<1x1x16xf32>,
        %parallel_loop3A_308 = vector.shape_cast %parallel_loop3A_307 : vector<1x1x16xf32> to vector<16xf32>
        %parallel_loop3A_309 = arith.cmpf ogt, %parallel_loop3A_308, %parallel_loop3A_178 : vector<16xf32>
        %parallel_loop3A_310 = arith.cmpf ogt, %parallel_loop3A_308, %parallel_loop3A_183 : vector<16xf32>
        %parallel_loop3A_311 = arith.cmpf ogt, %parallel_loop3A_308, %parallel_loop3A_188 : vector<16xf32>
        %parallel_loop3A_312 = arith.cmpf ogt, %parallel_loop3A_308, %parallel_loop3A_193 : vector<16xf32>
        %parallel_loop3A_313 = arith.cmpf ogt, %parallel_loop3A_308, %parallel_loop3A_198 : vector<16xf32>
        %parallel_loop3A_314 = arith.cmpf ogt, %parallel_loop3A_308, %parallel_loop3A_203 : vector<16xf32>
        %parallel_loop3A_315 = arith.cmpf ogt, %parallel_loop3A_308, %parallel_loop3A_208 : vector<16xf32>
        %parallel_loop3A_316 = arith.cmpf ogt, %parallel_loop3A_308, %parallel_loop3A_213 : vector<16xf32>
        %parallel_loop3A_317 = arith.cmpf ogt, %parallel_loop3A_308, %parallel_loop3A_218 : vector<16xf32>
        %parallel_loop3A_318 = arith.select %parallel_loop3A_316, %parallel_loop3A_263, %parallel_loop3A_258 : vector<16xi1>, vector<16xi32>
        %parallel_loop3A_319 = arith.select %parallel_loop3A_317, %parallel_loop3A_268, %parallel_loop3A_318 : vector<16xi1>, vector<16xi32>
        %parallel_loop3A_320 = arith.select %parallel_loop3A_314, %parallel_loop3A_253, %parallel_loop3A_248 : vector<16xi1>, vector<16xi32>
        %parallel_loop3A_321 = arith.select %parallel_loop3A_315, %parallel_loop3A_319, %parallel_loop3A_320 : vector<16xi1>, vector<16xi32>
        %parallel_loop3A_322 = arith.select %parallel_loop3A_311, %parallel_loop3A_238, %parallel_loop3A_233 : vector<16xi1>, vector<16xi32>
        %parallel_loop3A_323 = arith.select %parallel_loop3A_312, %parallel_loop3A_243, %parallel_loop3A_322 : vector<16xi1>, vector<16xi32>
        %parallel_loop3A_324 = arith.select %parallel_loop3A_309, %parallel_loop3A_228, %parallel_loop3A_223 : vector<16xi1>, vector<16xi32>
        %parallel_loop3A_325 = arith.select %parallel_loop3A_310, %parallel_loop3A_323, %parallel_loop3A_324 : vector<16xi1>, vector<16xi32>
        %parallel_loop3A_326 = arith.select %parallel_loop3A_313, %parallel_loop3A_321, %parallel_loop3A_325 : vector<16xi1>, vector<16xi32>
        %parallel_loop3A_327 = arith.constant 0 : i32
        %parallel_loop3A_328 = arith.constant 1 : i32
        %parallel_loop3A_329 = arith.index_cast %parallel_loop3A_327 : i32 to index
        %parallel_loop3A_330 = arith.index_cast %parallel_loop3A_328 : i32 to index
        %parallel_loop3A_331 = arith.index_cast %parallel_loop3A_173 : i32 to index
        %parallel_loop3A_332 = tpu.vector_load %arg9[%parallel_loop3A_329, %parallel_loop3A_330, %parallel_loop3A_331] {strides = array<i32>} : memref<2x4x2048xi32, #tpu.memory_space<vmem>>, vector<1x1x16xi32>,
        %parallel_loop3A_333 = vector.shape_cast %parallel_loop3A_332 : vector<1x1x16xi32> to vector<16xi32>
        %parallel_loop3A_334 = vector.shape_cast %parallel_loop3A_326 : vector<16xi32> to vector<1x1x16xi32>
        tpu.vector_store %arg9[%parallel_loop3A_329, %parallel_loop3A_330, %parallel_loop3A_331], %parallel_loop3A_334 {strides = array<i32>} : memref<2x4x2048xi32, #tpu.memory_space<vmem>>, vector<1x1x16xi32>,
        %parallel_loop3A_335 = arith.constant 0 : i32
        %parallel_loop3A_336 = arith.constant 2 : i32
        %parallel_loop3A_337 = arith.index_cast %parallel_loop3A_335 : i32 to index
        %parallel_loop3A_338 = arith.index_cast %parallel_loop3A_336 : i32 to index
        %parallel_loop3A_339 = arith.index_cast %parallel_loop3A_173 : i32 to index
        %parallel_loop3A_340 = tpu.vector_load %arg8[%parallel_loop3A_337, %parallel_loop3A_338, %parallel_loop3A_339] {strides = array<i32>} : memref<2x4x2048xf32, #tpu.memory_space<vmem>>, vector<1x1x16xf32>,
        %parallel_loop3A_341 = vector.shape_cast %parallel_loop3A_340 : vector<1x1x16xf32> to vector<16xf32>
        %parallel_loop3A_342 = arith.cmpf ogt, %parallel_loop3A_341, %parallel_loop3A_178 : vector<16xf32>
        %parallel_loop3A_343 = arith.cmpf ogt, %parallel_loop3A_341, %parallel_loop3A_183 : vector<16xf32>
        %parallel_loop3A_344 = arith.cmpf ogt, %parallel_loop3A_341, %parallel_loop3A_188 : vector<16xf32>
        %parallel_loop3A_345 = arith.cmpf ogt, %parallel_loop3A_341, %parallel_loop3A_193 : vector<16xf32>
        %parallel_loop3A_346 = arith.cmpf ogt, %parallel_loop3A_341, %parallel_loop3A_198 : vector<16xf32>
        %parallel_loop3A_347 = arith.cmpf ogt, %parallel_loop3A_341, %parallel_loop3A_203 : vector<16xf32>
        %parallel_loop3A_348 = arith.cmpf ogt, %parallel_loop3A_341, %parallel_loop3A_208 : vector<16xf32>
        %parallel_loop3A_349 = arith.cmpf ogt, %parallel_loop3A_341, %parallel_loop3A_213 : vector<16xf32>
        %parallel_loop3A_350 = arith.cmpf ogt, %parallel_loop3A_341, %parallel_loop3A_218 : vector<16xf32>
        %parallel_loop3A_351 = arith.select %parallel_loop3A_349, %parallel_loop3A_263, %parallel_loop3A_258 : vector<16xi1>, vector<16xi32>
        %parallel_loop3A_352 = arith.select %parallel_loop3A_350, %parallel_loop3A_268, %parallel_loop3A_351 : vector<16xi1>, vector<16xi32>
        %parallel_loop3A_353 = arith.select %parallel_loop3A_347, %parallel_loop3A_253, %parallel_loop3A_248 : vector<16xi1>, vector<16xi32>
        %parallel_loop3A_354 = arith.select %parallel_loop3A_348, %parallel_loop3A_352, %parallel_loop3A_353 : vector<16xi1>, vector<16xi32>
        %parallel_loop3A_355 = arith.select %parallel_loop3A_344, %parallel_loop3A_238, %parallel_loop3A_233 : vector<16xi1>, vector<16xi32>
        %parallel_loop3A_356 = arith.select %parallel_loop3A_345, %parallel_loop3A_243, %parallel_loop3A_355 : vector<16xi1>, vector<16xi32>
        %parallel_loop3A_357 = arith.select %parallel_loop3A_342, %parallel_loop3A_228, %parallel_loop3A_223 : vector<16xi1>, vector<16xi32>
        %parallel_loop3A_358 = arith.select %parallel_loop3A_343, %parallel_loop3A_356, %parallel_loop3A_357 : vector<16xi1>, vector<16xi32>
        %parallel_loop3A_359 = arith.select %parallel_loop3A_346, %parallel_loop3A_354, %parallel_loop3A_358 : vector<16xi1>, vector<16xi32>
        %parallel_loop3A_360 = arith.constant 0 : i32
        %parallel_loop3A_361 = arith.constant 2 : i32
        %parallel_loop3A_362 = arith.index_cast %parallel_loop3A_360 : i32 to index
        %parallel_loop3A_363 = arith.index_cast %parallel_loop3A_361 : i32 to index
        %parallel_loop3A_364 = arith.index_cast %parallel_loop3A_173 : i32 to index
        %parallel_loop3A_365 = tpu.vector_load %arg9[%parallel_loop3A_362, %parallel_loop3A_363, %parallel_loop3A_364] {strides = array<i32>} : memref<2x4x2048xi32, #tpu.memory_space<vmem>>, vector<1x1x16xi32>,
        %parallel_loop3A_366 = vector.shape_cast %parallel_loop3A_365 : vector<1x1x16xi32> to vector<16xi32>
        %parallel_loop3A_367 = vector.shape_cast %parallel_loop3A_359 : vector<16xi32> to vector<1x1x16xi32>
        tpu.vector_store %arg9[%parallel_loop3A_362, %parallel_loop3A_363, %parallel_loop3A_364], %parallel_loop3A_367 {strides = array<i32>} : memref<2x4x2048xi32, #tpu.memory_space<vmem>>, vector<1x1x16xi32>,
        %parallel_loop3A_368 = arith.constant 0 : i32
        %parallel_loop3A_369 = arith.constant 3 : i32
        %parallel_loop3A_370 = arith.index_cast %parallel_loop3A_368 : i32 to index
        %parallel_loop3A_371 = arith.index_cast %parallel_loop3A_369 : i32 to index
        %parallel_loop3A_372 = arith.index_cast %parallel_loop3A_173 : i32 to index
        %parallel_loop3A_373 = tpu.vector_load %arg8[%parallel_loop3A_370, %parallel_loop3A_371, %parallel_loop3A_372] {strides = array<i32>} : memref<2x4x2048xf32, #tpu.memory_space<vmem>>, vector<1x1x16xf32>,
        %parallel_loop3A_374 = vector.shape_cast %parallel_loop3A_373 : vector<1x1x16xf32> to vector<16xf32>
        %parallel_loop3A_375 = arith.cmpf ogt, %parallel_loop3A_374, %parallel_loop3A_178 : vector<16xf32>
        %parallel_loop3A_376 = arith.cmpf ogt, %parallel_loop3A_374, %parallel_loop3A_183 : vector<16xf32>
        %parallel_loop3A_377 = arith.cmpf ogt, %parallel_loop3A_374, %parallel_loop3A_188 : vector<16xf32>
        %parallel_loop3A_378 = arith.cmpf ogt, %parallel_loop3A_374, %parallel_loop3A_193 : vector<16xf32>
        %parallel_loop3A_379 = arith.cmpf ogt, %parallel_loop3A_374, %parallel_loop3A_198 : vector<16xf32>
        %parallel_loop3A_380 = arith.cmpf ogt, %parallel_loop3A_374, %parallel_loop3A_203 : vector<16xf32>
        %parallel_loop3A_381 = arith.cmpf ogt, %parallel_loop3A_374, %parallel_loop3A_208 : vector<16xf32>
        %parallel_loop3A_382 = arith.cmpf ogt, %parallel_loop3A_374, %parallel_loop3A_213 : vector<16xf32>
        %parallel_loop3A_383 = arith.cmpf ogt, %parallel_loop3A_374, %parallel_loop3A_218 : vector<16xf32>
        %parallel_loop3A_384 = arith.select %parallel_loop3A_382, %parallel_loop3A_263, %parallel_loop3A_258 : vector<16xi1>, vector<16xi32>
        %parallel_loop3A_385 = arith.select %parallel_loop3A_383, %parallel_loop3A_268, %parallel_loop3A_384 : vector<16xi1>, vector<16xi32>
        %parallel_loop3A_386 = arith.select %parallel_loop3A_380, %parallel_loop3A_253, %parallel_loop3A_248 : vector<16xi1>, vector<16xi32>
        %parallel_loop3A_387 = arith.select %parallel_loop3A_381, %parallel_loop3A_385, %parallel_loop3A_386 : vector<16xi1>, vector<16xi32>
        %parallel_loop3A_388 = arith.select %parallel_loop3A_377, %parallel_loop3A_238, %parallel_loop3A_233 : vector<16xi1>, vector<16xi32>
        %parallel_loop3A_389 = arith.select %parallel_loop3A_378, %parallel_loop3A_243, %parallel_loop3A_388 : vector<16xi1>, vector<16xi32>
        %parallel_loop3A_390 = arith.select %parallel_loop3A_375, %parallel_loop3A_228, %parallel_loop3A_223 : vector<16xi1>, vector<16xi32>
        %parallel_loop3A_391 = arith.select %parallel_loop3A_376, %parallel_loop3A_389, %parallel_loop3A_390 : vector<16xi1>, vector<16xi32>
        %parallel_loop3A_392 = arith.select %parallel_loop3A_379, %parallel_loop3A_387, %parallel_loop3A_391 : vector<16xi1>, vector<16xi32>
        %parallel_loop3A_393 = arith.constant 0 : i32
        %parallel_loop3A_394 = arith.constant 3 : i32
        %parallel_loop3A_395 = arith.index_cast %parallel_loop3A_393 : i32 to index
        %parallel_loop3A_396 = arith.index_cast %parallel_loop3A_394 : i32 to index
        %parallel_loop3A_397 = arith.index_cast %parallel_loop3A_173 : i32 to index
        %parallel_loop3A_398 = tpu.vector_load %arg9[%parallel_loop3A_395, %parallel_loop3A_396, %parallel_loop3A_397] {strides = array<i32>} : memref<2x4x2048xi32, #tpu.memory_space<vmem>>, vector<1x1x16xi32>,
        %parallel_loop3A_399 = vector.shape_cast %parallel_loop3A_398 : vector<1x1x16xi32> to vector<16xi32>
        %parallel_loop3A_400 = vector.shape_cast %parallel_loop3A_392 : vector<16xi32> to vector<1x1x16xi32>
        tpu.vector_store %arg9[%parallel_loop3A_395, %parallel_loop3A_396, %parallel_loop3A_397], %parallel_loop3A_400 {strides = array<i32>} : memref<2x4x2048xi32, #tpu.memory_space<vmem>>, vector<1x1x16xi32>,
      } {sc.loop_unroll_factor = 1 : i64, sc.parallel_access}
      %mul3A_94 = arith.constant 4 : i32
      %mul3A_95 = arith.muli %add3A_64, %mul3A_94 : i32
      %add3A_96 = arith.addi %mul3A_2, %mul3A_95 : i32
      %dma_start3A_97 = arith.constant 0 : i32
      %dma_start3A_98 = arith.constant 0 : i32
      %dma_start3A_99 = arith.constant 0 : i32
      %dma_start3A_100 = arith.constant 0 : i32
      %dma_start3A_101 = tpu.memref_slice %arg9[%dma_start3A_97, %dma_start3A_99, %dma_start3A_100] : memref<2x4x2048xi32, #tpu.memory_space<vmem>> -> memref<1x4x2048xi32, #tpu.memory_space<vmem>>
      %dma_start3A_102 = tpu.memref_squeeze %dma_start3A_101 : memref<1x4x2048xi32, #tpu.memory_space<vmem>> -> memref<4x2048xi32, #tpu.memory_space<vmem>>
      %dma_start3A_103 = arith.constant 0 : i32
      %dma_start3A_104 = tpu.memref_slice %arg5[%add3A_96, %dma_start3A_103] : memref<8192x2048xi32, #tpu.memory_space<hbm>> -> memref<4x2048xi32, #tpu.memory_space<hbm>>
      %dma_start3A_105 = tpu.memref_slice %arg11[%dma_start3A_98] : memref<2x!tpu.dma_semaphore, #tpu.memory_space<semaphore_mem>> -> memref<1x!tpu.dma_semaphore, #tpu.memory_space<semaphore_mem>>
      %dma_start3A_106 = tpu.memref_squeeze %dma_start3A_105 : memref<1x!tpu.dma_semaphore, #tpu.memory_space<semaphore_mem>> -> memref<!tpu.dma_semaphore, #tpu.memory_space<semaphore_mem>>
      %dma_start3A_107 = arith.constant 0 : i32
      %dma_start3A_108 = tpu.memref_slice %arg5[%add3A_96, %dma_start3A_107] : memref<8192x2048xi32, #tpu.memory_space<hbm>> -> memref<4x2048xi32, #tpu.memory_space<hbm>>
      %dma_start3A_109 = arith.constant 0 : i32
      %dma_start3A_110 = arith.constant 0 : i32
      %dma_start3A_111 = tpu.memref_slice %arg9[%dma_start3A_97, %dma_start3A_109, %dma_start3A_110] : memref<2x4x2048xi32, #tpu.memory_space<vmem>> -> memref<1x4x2048xi32, #tpu.memory_space<vmem>>
      %dma_start3A_112 = tpu.memref_squeeze %dma_start3A_111 : memref<1x4x2048xi32, #tpu.memory_space<vmem>> -> memref<4x2048xi32, #tpu.memory_space<vmem>>
      tpu.enqueue_dma source(%dma_start3A_112 : memref<4x2048xi32, #tpu.memory_space<vmem>>) target(%dma_start3A_108 : memref<4x2048xi32, #tpu.memory_space<hbm>>) target_semaphore(%dma_start3A_106 : memref<!tpu.dma_semaphore, #tpu.memory_space<semaphore_mem>>)
      %mul3A_113 = arith.constant 2 : i32
      %mul3A_114 = arith.muli %scan3A_60, %mul3A_113 : i32
      %add3A_115 = arith.constant 1 : i32
      %add3A_116 = arith.addi %mul3A_114, %add3A_115 : i32
      %add3A_117 = arith.constant 1 : i32
      %add3A_118 = arith.addi %add3A_116, %add3A_117 : i32
      %lt3A_119 = arith.constant 64 : i32
      %lt3A_120 = arith.cmpi slt, %add3A_118, %lt3A_119 : i32
      %convert_element_type3A_121 = arith.extui %lt3A_120 : i1 to i32
      %cond3A_122 = arith.constant 0 : i32
      %cond3A_123 = arith.cmpi ne, %convert_element_type3A_121, %cond3A_122 : i32
      scf.if %cond3A_123 {
        %add3A_170 = arith.constant 1 : i32
        %add3A_171 = arith.addi %add3A_116, %add3A_170 : i32
        %mul3A_172 = arith.constant 4 : i32
        %mul3A_173 = arith.muli %add3A_171, %mul3A_172 : i32
        %add3A_174 = arith.addi %mul3A_2, %mul3A_173 : i32
        %dma_start3A_175 = arith.constant 0 : i32
        %dma_start3A_176 = arith.constant 0 : i32
        %dma_start3A_177 = arith.constant 0 : i32
        %dma_start3A_178 = arith.constant 0 : i32
        %dma_start3A_179 = tpu.memref_slice %arg8[%dma_start3A_175, %dma_start3A_177, %dma_start3A_178] : memref<2x4x2048xf32, #tpu.memory_space<vmem>> -> memref<1x4x2048xf32, #tpu.memory_space<vmem>>
        %dma_start3A_180 = tpu.memref_squeeze %dma_start3A_179 : memref<1x4x2048xf32, #tpu.memory_space<vmem>> -> memref<4x2048xf32, #tpu.memory_space<vmem>>
        %dma_start3A_181 = arith.constant 0 : i32
        %dma_start3A_182 = tpu.memref_slice %arg2[%add3A_174, %dma_start3A_181] : memref<8192x2048xf32, #tpu.memory_space<hbm>> -> memref<4x2048xf32, #tpu.memory_space<hbm>>
        %dma_start3A_183 = tpu.memref_slice %arg10[%dma_start3A_176] : memref<2x!tpu.dma_semaphore, #tpu.memory_space<semaphore_mem>> -> memref<1x!tpu.dma_semaphore, #tpu.memory_space<semaphore_mem>>
        %dma_start3A_184 = tpu.memref_squeeze %dma_start3A_183 : memref<1x!tpu.dma_semaphore, #tpu.memory_space<semaphore_mem>> -> memref<!tpu.dma_semaphore, #tpu.memory_space<semaphore_mem>>
        %dma_start3A_185 = arith.constant 0 : i32
        %dma_start3A_186 = arith.constant 0 : i32
        %dma_start3A_187 = tpu.memref_slice %arg8[%dma_start3A_175, %dma_start3A_185, %dma_start3A_186] : memref<2x4x2048xf32, #tpu.memory_space<vmem>> -> memref<1x4x2048xf32, #tpu.memory_space<vmem>>
        %dma_start3A_188 = tpu.memref_squeeze %dma_start3A_187 : memref<1x4x2048xf32, #tpu.memory_space<vmem>> -> memref<4x2048xf32, #tpu.memory_space<vmem>>
        %dma_start3A_189 = arith.constant 0 : i32
        %dma_start3A_190 = tpu.memref_slice %arg2[%add3A_174, %dma_start3A_189] : memref<8192x2048xf32, #tpu.memory_space<hbm>> -> memref<4x2048xf32, #tpu.memory_space<hbm>>
        tpu.enqueue_dma source(%dma_start3A_190 : memref<4x2048xf32, #tpu.memory_space<hbm>>) target(%dma_start3A_188 : memref<4x2048xf32, #tpu.memory_space<vmem>>) target_semaphore(%dma_start3A_184 : memref<!tpu.dma_semaphore, #tpu.memory_space<semaphore_mem>>)
      } else {
      }
      %mul3A_124 = arith.constant 4 : i32
      %mul3A_125 = arith.muli %add3A_116, %mul3A_124 : i32
      %add3A_126 = arith.addi %mul3A_2, %mul3A_125 : i32
      %dma_wait3A_127 = arith.constant 1 : i32
      %dma_wait3A_128 = arith.constant 1 : i32
      %dma_wait3A_129 = arith.constant 0 : i32
      %dma_wait3A_130 = arith.constant 0 : i32
      %dma_wait3A_131 = tpu.memref_slice %arg8[%dma_wait3A_127, %dma_wait3A_129, %dma_wait3A_130] : memref<2x4x2048xf32, #tpu.memory_space<vmem>> -> memref<1x4x2048xf32, #tpu.memory_space<vmem>>
      %dma_wait3A_132 = tpu.memref_squeeze %dma_wait3A_131 : memref<1x4x2048xf32, #tpu.memory_space<vmem>> -> memref<4x2048xf32, #tpu.memory_space<vmem>>
      %dma_wait3A_133 = arith.constant 0 : i32
      %dma_wait3A_134 = tpu.memref_slice %arg2[%add3A_126, %dma_wait3A_133] : memref<8192x2048xf32, #tpu.memory_space<hbm>> -> memref<4x2048xf32, #tpu.memory_space<hbm>>
      %dma_wait3A_135 = tpu.memref_slice %arg10[%dma_wait3A_128] : memref<2x!tpu.dma_semaphore, #tpu.memory_space<semaphore_mem>> -> memref<1x!tpu.dma_semaphore, #tpu.memory_space<semaphore_mem>>
      %dma_wait3A_136 = tpu.memref_squeeze %dma_wait3A_135 : memref<1x!tpu.dma_semaphore, #tpu.memory_space<semaphore_mem>> -> memref<!tpu.dma_semaphore, #tpu.memory_space<semaphore_mem>>
      %dma_wait3A_137 = arith.constant 0 : i32
      %dma_wait3A_138 = arith.constant 0 : i32
      %dma_wait3A_139 = tpu.memref_slice %arg8[%dma_wait3A_127, %dma_wait3A_137, %dma_wait3A_138] : memref<2x4x2048xf32, #tpu.memory_space<vmem>> -> memref<1x4x2048xf32, #tpu.memory_space<vmem>>
      %dma_wait3A_140 = tpu.memref_squeeze %dma_wait3A_139 : memref<1x4x2048xf32, #tpu.memory_space<vmem>> -> memref<4x2048xf32, #tpu.memory_space<vmem>>
      %dma_wait3A_141 = arith.constant 0 : i32
      %dma_wait3A_142 = tpu.memref_slice %arg2[%add3A_126, %dma_wait3A_141] : memref<8192x2048xf32, #tpu.memory_space<hbm>> -> memref<4x2048xf32, #tpu.memory_space<hbm>>
      tpu.wait_dma2 semaphore(%dma_wait3A_136 : memref<!tpu.dma_semaphore, #tpu.memory_space<semaphore_mem>>) src(%dma_wait3A_142 : memref<4x2048xf32, #tpu.memory_space<hbm>>) dst(%dma_wait3A_140 : memref<4x2048xf32, #tpu.memory_space<vmem>>)
      %ge3A_143 = arith.constant 2 : i32
      %ge3A_144 = arith.cmpi sge, %add3A_116, %ge3A_143 : i32
      %convert_element_type3A_145 = arith.extui %ge3A_144 : i1 to i32
      %cond3A_146 = arith.constant 0 : i32
      %cond3A_147 = arith.cmpi ne, %convert_element_type3A_145, %cond3A_146 : i32
      scf.if %cond3A_147 {
        %sub3A = arith.constant 2 : i32
        %sub3A_170 = arith.subi %add3A_116, %sub3A : i32
        %mul3A_171 = arith.constant 4 : i32
        %mul3A_172 = arith.muli %sub3A_170, %mul3A_171 : i32
        %add3A_173 = arith.addi %mul3A_2, %mul3A_172 : i32
        %dma_wait3A_174 = arith.constant 1 : i32
        %dma_wait3A_175 = arith.constant 1 : i32
        %dma_wait3A_176 = arith.constant 0 : i32
        %dma_wait3A_177 = arith.constant 0 : i32
        %dma_wait3A_178 = tpu.memref_slice %arg9[%dma_wait3A_174, %dma_wait3A_176, %dma_wait3A_177] : memref<2x4x2048xi32, #tpu.memory_space<vmem>> -> memref<1x4x2048xi32, #tpu.memory_space<vmem>>
        %dma_wait3A_179 = tpu.memref_squeeze %dma_wait3A_178 : memref<1x4x2048xi32, #tpu.memory_space<vmem>> -> memref<4x2048xi32, #tpu.memory_space<vmem>>
        %dma_wait3A_180 = arith.constant 0 : i32
        %dma_wait3A_181 = tpu.memref_slice %arg5[%add3A_173, %dma_wait3A_180] : memref<8192x2048xi32, #tpu.memory_space<hbm>> -> memref<4x2048xi32, #tpu.memory_space<hbm>>
        %dma_wait3A_182 = tpu.memref_slice %arg11[%dma_wait3A_175] : memref<2x!tpu.dma_semaphore, #tpu.memory_space<semaphore_mem>> -> memref<1x!tpu.dma_semaphore, #tpu.memory_space<semaphore_mem>>
        %dma_wait3A_183 = tpu.memref_squeeze %dma_wait3A_182 : memref<1x!tpu.dma_semaphore, #tpu.memory_space<semaphore_mem>> -> memref<!tpu.dma_semaphore, #tpu.memory_space<semaphore_mem>>
        %dma_wait3A_184 = arith.constant 0 : i32
        %dma_wait3A_185 = tpu.memref_slice %arg5[%add3A_173, %dma_wait3A_184] : memref<8192x2048xi32, #tpu.memory_space<hbm>> -> memref<4x2048xi32, #tpu.memory_space<hbm>>
        %dma_wait3A_186 = arith.constant 0 : i32
        %dma_wait3A_187 = arith.constant 0 : i32
        %dma_wait3A_188 = tpu.memref_slice %arg9[%dma_wait3A_174, %dma_wait3A_186, %dma_wait3A_187] : memref<2x4x2048xi32, #tpu.memory_space<vmem>> -> memref<1x4x2048xi32, #tpu.memory_space<vmem>>
        %dma_wait3A_189 = tpu.memref_squeeze %dma_wait3A_188 : memref<1x4x2048xi32, #tpu.memory_space<vmem>> -> memref<4x2048xi32, #tpu.memory_space<vmem>>
        tpu.wait_dma2 semaphore(%dma_wait3A_183 : memref<!tpu.dma_semaphore, #tpu.memory_space<semaphore_mem>>) src(%dma_wait3A_189 : memref<4x2048xi32, #tpu.memory_space<vmem>>) dst(%dma_wait3A_185 : memref<4x2048xi32, #tpu.memory_space<hbm>>)
      } else {
      }
      %parallel_loop3A_148 = arith.constant 0 : i32
      %parallel_loop3A_149 = arith.constant 128 : i32
      %parallel_loop3A_150 = arith.constant 1 : i32
      scf.for %parallel_loop3A_170 = %parallel_loop3A_148 to %parallel_loop3A_149 step %parallel_loop3A_150  : i32 {
        %parallel_loop3A_171 = arith.constant 16 : i32
        %parallel_loop3A_172 = arith.muli %parallel_loop3A_170, %parallel_loop3A_171 : i32
        %parallel_loop3A_173 = tpu.assume_multiple %parallel_loop3A_172, 16 : i32
        %parallel_loop3A_174 = arith.constant 0 : i32
        %parallel_loop3A_175 = arith.index_cast %parallel_loop3A_174 : i32 to index
        %parallel_loop3A_176 = arith.index_cast %parallel_loop3A_173 : i32 to index
        %parallel_loop3A_177 = tpu.vector_load %arg6[%parallel_loop3A_175, %parallel_loop3A_176] {strides = array<i32>} : memref<9x2048xf32, #tpu.memory_space<vmem>>, vector<1x16xf32>,
        %parallel_loop3A_178 = vector.shape_cast %parallel_loop3A_177 : vector<1x16xf32> to vector<16xf32>
        %parallel_loop3A_179 = arith.constant 1 : i32
        %parallel_loop3A_180 = arith.index_cast %parallel_loop3A_179 : i32 to index
        %parallel_loop3A_181 = arith.index_cast %parallel_loop3A_173 : i32 to index
        %parallel_loop3A_182 = tpu.vector_load %arg6[%parallel_loop3A_180, %parallel_loop3A_181] {strides = array<i32>} : memref<9x2048xf32, #tpu.memory_space<vmem>>, vector<1x16xf32>,
        %parallel_loop3A_183 = vector.shape_cast %parallel_loop3A_182 : vector<1x16xf32> to vector<16xf32>
        %parallel_loop3A_184 = arith.constant 2 : i32
        %parallel_loop3A_185 = arith.index_cast %parallel_loop3A_184 : i32 to index
        %parallel_loop3A_186 = arith.index_cast %parallel_loop3A_173 : i32 to index
        %parallel_loop3A_187 = tpu.vector_load %arg6[%parallel_loop3A_185, %parallel_loop3A_186] {strides = array<i32>} : memref<9x2048xf32, #tpu.memory_space<vmem>>, vector<1x16xf32>,
        %parallel_loop3A_188 = vector.shape_cast %parallel_loop3A_187 : vector<1x16xf32> to vector<16xf32>
        %parallel_loop3A_189 = arith.constant 3 : i32
        %parallel_loop3A_190 = arith.index_cast %parallel_loop3A_189 : i32 to index
        %parallel_loop3A_191 = arith.index_cast %parallel_loop3A_173 : i32 to index
        %parallel_loop3A_192 = tpu.vector_load %arg6[%parallel_loop3A_190, %parallel_loop3A_191] {strides = array<i32>} : memref<9x2048xf32, #tpu.memory_space<vmem>>, vector<1x16xf32>,
        %parallel_loop3A_193 = vector.shape_cast %parallel_loop3A_192 : vector<1x16xf32> to vector<16xf32>
        %parallel_loop3A_194 = arith.constant 4 : i32
        %parallel_loop3A_195 = arith.index_cast %parallel_loop3A_194 : i32 to index
        %parallel_loop3A_196 = arith.index_cast %parallel_loop3A_173 : i32 to index
        %parallel_loop3A_197 = tpu.vector_load %arg6[%parallel_loop3A_195, %parallel_loop3A_196] {strides = array<i32>} : memref<9x2048xf32, #tpu.memory_space<vmem>>, vector<1x16xf32>,
        %parallel_loop3A_198 = vector.shape_cast %parallel_loop3A_197 : vector<1x16xf32> to vector<16xf32>
        %parallel_loop3A_199 = arith.constant 5 : i32
        %parallel_loop3A_200 = arith.index_cast %parallel_loop3A_199 : i32 to index
        %parallel_loop3A_201 = arith.index_cast %parallel_loop3A_173 : i32 to index
        %parallel_loop3A_202 = tpu.vector_load %arg6[%parallel_loop3A_200, %parallel_loop3A_201] {strides = array<i32>} : memref<9x2048xf32, #tpu.memory_space<vmem>>, vector<1x16xf32>,
        %parallel_loop3A_203 = vector.shape_cast %parallel_loop3A_202 : vector<1x16xf32> to vector<16xf32>
        %parallel_loop3A_204 = arith.constant 6 : i32
        %parallel_loop3A_205 = arith.index_cast %parallel_loop3A_204 : i32 to index
        %parallel_loop3A_206 = arith.index_cast %parallel_loop3A_173 : i32 to index
        %parallel_loop3A_207 = tpu.vector_load %arg6[%parallel_loop3A_205, %parallel_loop3A_206] {strides = array<i32>} : memref<9x2048xf32, #tpu.memory_space<vmem>>, vector<1x16xf32>,
        %parallel_loop3A_208 = vector.shape_cast %parallel_loop3A_207 : vector<1x16xf32> to vector<16xf32>
        %parallel_loop3A_209 = arith.constant 7 : i32
        %parallel_loop3A_210 = arith.index_cast %parallel_loop3A_209 : i32 to index
        %parallel_loop3A_211 = arith.index_cast %parallel_loop3A_173 : i32 to index
        %parallel_loop3A_212 = tpu.vector_load %arg6[%parallel_loop3A_210, %parallel_loop3A_211] {strides = array<i32>} : memref<9x2048xf32, #tpu.memory_space<vmem>>, vector<1x16xf32>,
        %parallel_loop3A_213 = vector.shape_cast %parallel_loop3A_212 : vector<1x16xf32> to vector<16xf32>
        %parallel_loop3A_214 = arith.constant 8 : i32
        %parallel_loop3A_215 = arith.index_cast %parallel_loop3A_214 : i32 to index
        %parallel_loop3A_216 = arith.index_cast %parallel_loop3A_173 : i32 to index
        %parallel_loop3A_217 = tpu.vector_load %arg6[%parallel_loop3A_215, %parallel_loop3A_216] {strides = array<i32>} : memref<9x2048xf32, #tpu.memory_space<vmem>>, vector<1x16xf32>,
        %parallel_loop3A_218 = vector.shape_cast %parallel_loop3A_217 : vector<1x16xf32> to vector<16xf32>
        %parallel_loop3A_219 = arith.constant 0 : i32
        %parallel_loop3A_220 = arith.index_cast %parallel_loop3A_219 : i32 to index
        %parallel_loop3A_221 = arith.index_cast %parallel_loop3A_173 : i32 to index
        %parallel_loop3A_222 = tpu.vector_load %arg7[%parallel_loop3A_220, %parallel_loop3A_221] {strides = array<i32>} : memref<10x2048xi32, #tpu.memory_space<vmem>>, vector<1x16xi32>,
        %parallel_loop3A_223 = vector.shape_cast %parallel_loop3A_222 : vector<1x16xi32> to vector<16xi32>
        %parallel_loop3A_224 = arith.constant 1 : i32
        %parallel_loop3A_225 = arith.index_cast %parallel_loop3A_224 : i32 to index
        %parallel_loop3A_226 = arith.index_cast %parallel_loop3A_173 : i32 to index
        %parallel_loop3A_227 = tpu.vector_load %arg7[%parallel_loop3A_225, %parallel_loop3A_226] {strides = array<i32>} : memref<10x2048xi32, #tpu.memory_space<vmem>>, vector<1x16xi32>,
        %parallel_loop3A_228 = vector.shape_cast %parallel_loop3A_227 : vector<1x16xi32> to vector<16xi32>
        %parallel_loop3A_229 = arith.constant 2 : i32
        %parallel_loop3A_230 = arith.index_cast %parallel_loop3A_229 : i32 to index
        %parallel_loop3A_231 = arith.index_cast %parallel_loop3A_173 : i32 to index
        %parallel_loop3A_232 = tpu.vector_load %arg7[%parallel_loop3A_230, %parallel_loop3A_231] {strides = array<i32>} : memref<10x2048xi32, #tpu.memory_space<vmem>>, vector<1x16xi32>,
        %parallel_loop3A_233 = vector.shape_cast %parallel_loop3A_232 : vector<1x16xi32> to vector<16xi32>
        %parallel_loop3A_234 = arith.constant 3 : i32
        %parallel_loop3A_235 = arith.index_cast %parallel_loop3A_234 : i32 to index
        %parallel_loop3A_236 = arith.index_cast %parallel_loop3A_173 : i32 to index
        %parallel_loop3A_237 = tpu.vector_load %arg7[%parallel_loop3A_235, %parallel_loop3A_236] {strides = array<i32>} : memref<10x2048xi32, #tpu.memory_space<vmem>>, vector<1x16xi32>,
        %parallel_loop3A_238 = vector.shape_cast %parallel_loop3A_237 : vector<1x16xi32> to vector<16xi32>
        %parallel_loop3A_239 = arith.constant 4 : i32
        %parallel_loop3A_240 = arith.index_cast %parallel_loop3A_239 : i32 to index
        %parallel_loop3A_241 = arith.index_cast %parallel_loop3A_173 : i32 to index
        %parallel_loop3A_242 = tpu.vector_load %arg7[%parallel_loop3A_240, %parallel_loop3A_241] {strides = array<i32>} : memref<10x2048xi32, #tpu.memory_space<vmem>>, vector<1x16xi32>,
        %parallel_loop3A_243 = vector.shape_cast %parallel_loop3A_242 : vector<1x16xi32> to vector<16xi32>
        %parallel_loop3A_244 = arith.constant 5 : i32
        %parallel_loop3A_245 = arith.index_cast %parallel_loop3A_244 : i32 to index
        %parallel_loop3A_246 = arith.index_cast %parallel_loop3A_173 : i32 to index
        %parallel_loop3A_247 = tpu.vector_load %arg7[%parallel_loop3A_245, %parallel_loop3A_246] {strides = array<i32>} : memref<10x2048xi32, #tpu.memory_space<vmem>>, vector<1x16xi32>,
        %parallel_loop3A_248 = vector.shape_cast %parallel_loop3A_247 : vector<1x16xi32> to vector<16xi32>
        %parallel_loop3A_249 = arith.constant 6 : i32
        %parallel_loop3A_250 = arith.index_cast %parallel_loop3A_249 : i32 to index
        %parallel_loop3A_251 = arith.index_cast %parallel_loop3A_173 : i32 to index
        %parallel_loop3A_252 = tpu.vector_load %arg7[%parallel_loop3A_250, %parallel_loop3A_251] {strides = array<i32>} : memref<10x2048xi32, #tpu.memory_space<vmem>>, vector<1x16xi32>,
        %parallel_loop3A_253 = vector.shape_cast %parallel_loop3A_252 : vector<1x16xi32> to vector<16xi32>
        %parallel_loop3A_254 = arith.constant 7 : i32
        %parallel_loop3A_255 = arith.index_cast %parallel_loop3A_254 : i32 to index
        %parallel_loop3A_256 = arith.index_cast %parallel_loop3A_173 : i32 to index
        %parallel_loop3A_257 = tpu.vector_load %arg7[%parallel_loop3A_255, %parallel_loop3A_256] {strides = array<i32>} : memref<10x2048xi32, #tpu.memory_space<vmem>>, vector<1x16xi32>,
        %parallel_loop3A_258 = vector.shape_cast %parallel_loop3A_257 : vector<1x16xi32> to vector<16xi32>
        %parallel_loop3A_259 = arith.constant 8 : i32
        %parallel_loop3A_260 = arith.index_cast %parallel_loop3A_259 : i32 to index
        %parallel_loop3A_261 = arith.index_cast %parallel_loop3A_173 : i32 to index
        %parallel_loop3A_262 = tpu.vector_load %arg7[%parallel_loop3A_260, %parallel_loop3A_261] {strides = array<i32>} : memref<10x2048xi32, #tpu.memory_space<vmem>>, vector<1x16xi32>,
        %parallel_loop3A_263 = vector.shape_cast %parallel_loop3A_262 : vector<1x16xi32> to vector<16xi32>
        %parallel_loop3A_264 = arith.constant 9 : i32
        %parallel_loop3A_265 = arith.index_cast %parallel_loop3A_264 : i32 to index
        %parallel_loop3A_266 = arith.index_cast %parallel_loop3A_173 : i32 to index
        %parallel_loop3A_267 = tpu.vector_load %arg7[%parallel_loop3A_265, %parallel_loop3A_266] {strides = array<i32>} : memref<10x2048xi32, #tpu.memory_space<vmem>>, vector<1x16xi32>,
        %parallel_loop3A_268 = vector.shape_cast %parallel_loop3A_267 : vector<1x16xi32> to vector<16xi32>
        %parallel_loop3A_269 = arith.constant 1 : i32
        %parallel_loop3A_270 = arith.constant 0 : i32
        %parallel_loop3A_271 = arith.index_cast %parallel_loop3A_269 : i32 to index
        %parallel_loop3A_272 = arith.index_cast %parallel_loop3A_270 : i32 to index
        %parallel_loop3A_273 = arith.index_cast %parallel_loop3A_173 : i32 to index
        %parallel_loop3A_274 = tpu.vector_load %arg8[%parallel_loop3A_271, %parallel_loop3A_272, %parallel_loop3A_273] {strides = array<i32>} : memref<2x4x2048xf32, #tpu.memory_space<vmem>>, vector<1x1x16xf32>,
        %parallel_loop3A_275 = vector.shape_cast %parallel_loop3A_274 : vector<1x1x16xf32> to vector<16xf32>
        %parallel_loop3A_276 = arith.cmpf ogt, %parallel_loop3A_275, %parallel_loop3A_178 : vector<16xf32>
        %parallel_loop3A_277 = arith.cmpf ogt, %parallel_loop3A_275, %parallel_loop3A_183 : vector<16xf32>
        %parallel_loop3A_278 = arith.cmpf ogt, %parallel_loop3A_275, %parallel_loop3A_188 : vector<16xf32>
        %parallel_loop3A_279 = arith.cmpf ogt, %parallel_loop3A_275, %parallel_loop3A_193 : vector<16xf32>
        %parallel_loop3A_280 = arith.cmpf ogt, %parallel_loop3A_275, %parallel_loop3A_198 : vector<16xf32>
        %parallel_loop3A_281 = arith.cmpf ogt, %parallel_loop3A_275, %parallel_loop3A_203 : vector<16xf32>
        %parallel_loop3A_282 = arith.cmpf ogt, %parallel_loop3A_275, %parallel_loop3A_208 : vector<16xf32>
        %parallel_loop3A_283 = arith.cmpf ogt, %parallel_loop3A_275, %parallel_loop3A_213 : vector<16xf32>
        %parallel_loop3A_284 = arith.cmpf ogt, %parallel_loop3A_275, %parallel_loop3A_218 : vector<16xf32>
        %parallel_loop3A_285 = arith.select %parallel_loop3A_283, %parallel_loop3A_263, %parallel_loop3A_258 : vector<16xi1>, vector<16xi32>
        %parallel_loop3A_286 = arith.select %parallel_loop3A_284, %parallel_loop3A_268, %parallel_loop3A_285 : vector<16xi1>, vector<16xi32>
        %parallel_loop3A_287 = arith.select %parallel_loop3A_281, %parallel_loop3A_253, %parallel_loop3A_248 : vector<16xi1>, vector<16xi32>
        %parallel_loop3A_288 = arith.select %parallel_loop3A_282, %parallel_loop3A_286, %parallel_loop3A_287 : vector<16xi1>, vector<16xi32>
        %parallel_loop3A_289 = arith.select %parallel_loop3A_278, %parallel_loop3A_238, %parallel_loop3A_233 : vector<16xi1>, vector<16xi32>
        %parallel_loop3A_290 = arith.select %parallel_loop3A_279, %parallel_loop3A_243, %parallel_loop3A_289 : vector<16xi1>, vector<16xi32>
        %parallel_loop3A_291 = arith.select %parallel_loop3A_276, %parallel_loop3A_228, %parallel_loop3A_223 : vector<16xi1>, vector<16xi32>
        %parallel_loop3A_292 = arith.select %parallel_loop3A_277, %parallel_loop3A_290, %parallel_loop3A_291 : vector<16xi1>, vector<16xi32>
        %parallel_loop3A_293 = arith.select %parallel_loop3A_280, %parallel_loop3A_288, %parallel_loop3A_292 : vector<16xi1>, vector<16xi32>
        %parallel_loop3A_294 = arith.constant 1 : i32
        %parallel_loop3A_295 = arith.constant 0 : i32
        %parallel_loop3A_296 = arith.index_cast %parallel_loop3A_294 : i32 to index
        %parallel_loop3A_297 = arith.index_cast %parallel_loop3A_295 : i32 to index
        %parallel_loop3A_298 = arith.index_cast %parallel_loop3A_173 : i32 to index
        %parallel_loop3A_299 = tpu.vector_load %arg9[%parallel_loop3A_296, %parallel_loop3A_297, %parallel_loop3A_298] {strides = array<i32>} : memref<2x4x2048xi32, #tpu.memory_space<vmem>>, vector<1x1x16xi32>,
        %parallel_loop3A_300 = vector.shape_cast %parallel_loop3A_299 : vector<1x1x16xi32> to vector<16xi32>
        %parallel_loop3A_301 = vector.shape_cast %parallel_loop3A_293 : vector<16xi32> to vector<1x1x16xi32>
        tpu.vector_store %arg9[%parallel_loop3A_296, %parallel_loop3A_297, %parallel_loop3A_298], %parallel_loop3A_301 {strides = array<i32>} : memref<2x4x2048xi32, #tpu.memory_space<vmem>>, vector<1x1x16xi32>,
        %parallel_loop3A_302 = arith.constant 1 : i32
        %parallel_loop3A_303 = arith.constant 1 : i32
        %parallel_loop3A_304 = arith.index_cast %parallel_loop3A_302 : i32 to index
        %parallel_loop3A_305 = arith.index_cast %parallel_loop3A_303 : i32 to index
        %parallel_loop3A_306 = arith.index_cast %parallel_loop3A_173 : i32 to index
        %parallel_loop3A_307 = tpu.vector_load %arg8[%parallel_loop3A_304, %parallel_loop3A_305, %parallel_loop3A_306] {strides = array<i32>} : memref<2x4x2048xf32, #tpu.memory_space<vmem>>, vector<1x1x16xf32>,
        %parallel_loop3A_308 = vector.shape_cast %parallel_loop3A_307 : vector<1x1x16xf32> to vector<16xf32>
        %parallel_loop3A_309 = arith.cmpf ogt, %parallel_loop3A_308, %parallel_loop3A_178 : vector<16xf32>
        %parallel_loop3A_310 = arith.cmpf ogt, %parallel_loop3A_308, %parallel_loop3A_183 : vector<16xf32>
        %parallel_loop3A_311 = arith.cmpf ogt, %parallel_loop3A_308, %parallel_loop3A_188 : vector<16xf32>
        %parallel_loop3A_312 = arith.cmpf ogt, %parallel_loop3A_308, %parallel_loop3A_193 : vector<16xf32>
        %parallel_loop3A_313 = arith.cmpf ogt, %parallel_loop3A_308, %parallel_loop3A_198 : vector<16xf32>
        %parallel_loop3A_314 = arith.cmpf ogt, %parallel_loop3A_308, %parallel_loop3A_203 : vector<16xf32>
        %parallel_loop3A_315 = arith.cmpf ogt, %parallel_loop3A_308, %parallel_loop3A_208 : vector<16xf32>
        %parallel_loop3A_316 = arith.cmpf ogt, %parallel_loop3A_308, %parallel_loop3A_213 : vector<16xf32>
        %parallel_loop3A_317 = arith.cmpf ogt, %parallel_loop3A_308, %parallel_loop3A_218 : vector<16xf32>
        %parallel_loop3A_318 = arith.select %parallel_loop3A_316, %parallel_loop3A_263, %parallel_loop3A_258 : vector<16xi1>, vector<16xi32>
        %parallel_loop3A_319 = arith.select %parallel_loop3A_317, %parallel_loop3A_268, %parallel_loop3A_318 : vector<16xi1>, vector<16xi32>
        %parallel_loop3A_320 = arith.select %parallel_loop3A_314, %parallel_loop3A_253, %parallel_loop3A_248 : vector<16xi1>, vector<16xi32>
        %parallel_loop3A_321 = arith.select %parallel_loop3A_315, %parallel_loop3A_319, %parallel_loop3A_320 : vector<16xi1>, vector<16xi32>
        %parallel_loop3A_322 = arith.select %parallel_loop3A_311, %parallel_loop3A_238, %parallel_loop3A_233 : vector<16xi1>, vector<16xi32>
        %parallel_loop3A_323 = arith.select %parallel_loop3A_312, %parallel_loop3A_243, %parallel_loop3A_322 : vector<16xi1>, vector<16xi32>
        %parallel_loop3A_324 = arith.select %parallel_loop3A_309, %parallel_loop3A_228, %parallel_loop3A_223 : vector<16xi1>, vector<16xi32>
        %parallel_loop3A_325 = arith.select %parallel_loop3A_310, %parallel_loop3A_323, %parallel_loop3A_324 : vector<16xi1>, vector<16xi32>
        %parallel_loop3A_326 = arith.select %parallel_loop3A_313, %parallel_loop3A_321, %parallel_loop3A_325 : vector<16xi1>, vector<16xi32>
        %parallel_loop3A_327 = arith.constant 1 : i32
        %parallel_loop3A_328 = arith.constant 1 : i32
        %parallel_loop3A_329 = arith.index_cast %parallel_loop3A_327 : i32 to index
        %parallel_loop3A_330 = arith.index_cast %parallel_loop3A_328 : i32 to index
        %parallel_loop3A_331 = arith.index_cast %parallel_loop3A_173 : i32 to index
        %parallel_loop3A_332 = tpu.vector_load %arg9[%parallel_loop3A_329, %parallel_loop3A_330, %parallel_loop3A_331] {strides = array<i32>} : memref<2x4x2048xi32, #tpu.memory_space<vmem>>, vector<1x1x16xi32>,
        %parallel_loop3A_333 = vector.shape_cast %parallel_loop3A_332 : vector<1x1x16xi32> to vector<16xi32>
        %parallel_loop3A_334 = vector.shape_cast %parallel_loop3A_326 : vector<16xi32> to vector<1x1x16xi32>
        tpu.vector_store %arg9[%parallel_loop3A_329, %parallel_loop3A_330, %parallel_loop3A_331], %parallel_loop3A_334 {strides = array<i32>} : memref<2x4x2048xi32, #tpu.memory_space<vmem>>, vector<1x1x16xi32>,
        %parallel_loop3A_335 = arith.constant 1 : i32
        %parallel_loop3A_336 = arith.constant 2 : i32
        %parallel_loop3A_337 = arith.index_cast %parallel_loop3A_335 : i32 to index
        %parallel_loop3A_338 = arith.index_cast %parallel_loop3A_336 : i32 to index
        %parallel_loop3A_339 = arith.index_cast %parallel_loop3A_173 : i32 to index
        %parallel_loop3A_340 = tpu.vector_load %arg8[%parallel_loop3A_337, %parallel_loop3A_338, %parallel_loop3A_339] {strides = array<i32>} : memref<2x4x2048xf32, #tpu.memory_space<vmem>>, vector<1x1x16xf32>,
        %parallel_loop3A_341 = vector.shape_cast %parallel_loop3A_340 : vector<1x1x16xf32> to vector<16xf32>
        %parallel_loop3A_342 = arith.cmpf ogt, %parallel_loop3A_341, %parallel_loop3A_178 : vector<16xf32>
        %parallel_loop3A_343 = arith.cmpf ogt, %parallel_loop3A_341, %parallel_loop3A_183 : vector<16xf32>
        %parallel_loop3A_344 = arith.cmpf ogt, %parallel_loop3A_341, %parallel_loop3A_188 : vector<16xf32>
        %parallel_loop3A_345 = arith.cmpf ogt, %parallel_loop3A_341, %parallel_loop3A_193 : vector<16xf32>
        %parallel_loop3A_346 = arith.cmpf ogt, %parallel_loop3A_341, %parallel_loop3A_198 : vector<16xf32>
        %parallel_loop3A_347 = arith.cmpf ogt, %parallel_loop3A_341, %parallel_loop3A_203 : vector<16xf32>
        %parallel_loop3A_348 = arith.cmpf ogt, %parallel_loop3A_341, %parallel_loop3A_208 : vector<16xf32>
        %parallel_loop3A_349 = arith.cmpf ogt, %parallel_loop3A_341, %parallel_loop3A_213 : vector<16xf32>
        %parallel_loop3A_350 = arith.cmpf ogt, %parallel_loop3A_341, %parallel_loop3A_218 : vector<16xf32>
        %parallel_loop3A_351 = arith.select %parallel_loop3A_349, %parallel_loop3A_263, %parallel_loop3A_258 : vector<16xi1>, vector<16xi32>
        %parallel_loop3A_352 = arith.select %parallel_loop3A_350, %parallel_loop3A_268, %parallel_loop3A_351 : vector<16xi1>, vector<16xi32>
        %parallel_loop3A_353 = arith.select %parallel_loop3A_347, %parallel_loop3A_253, %parallel_loop3A_248 : vector<16xi1>, vector<16xi32>
        %parallel_loop3A_354 = arith.select %parallel_loop3A_348, %parallel_loop3A_352, %parallel_loop3A_353 : vector<16xi1>, vector<16xi32>
        %parallel_loop3A_355 = arith.select %parallel_loop3A_344, %parallel_loop3A_238, %parallel_loop3A_233 : vector<16xi1>, vector<16xi32>
        %parallel_loop3A_356 = arith.select %parallel_loop3A_345, %parallel_loop3A_243, %parallel_loop3A_355 : vector<16xi1>, vector<16xi32>
        %parallel_loop3A_357 = arith.select %parallel_loop3A_342, %parallel_loop3A_228, %parallel_loop3A_223 : vector<16xi1>, vector<16xi32>
        %parallel_loop3A_358 = arith.select %parallel_loop3A_343, %parallel_loop3A_356, %parallel_loop3A_357 : vector<16xi1>, vector<16xi32>
        %parallel_loop3A_359 = arith.select %parallel_loop3A_346, %parallel_loop3A_354, %parallel_loop3A_358 : vector<16xi1>, vector<16xi32>
        %parallel_loop3A_360 = arith.constant 1 : i32
        %parallel_loop3A_361 = arith.constant 2 : i32
        %parallel_loop3A_362 = arith.index_cast %parallel_loop3A_360 : i32 to index
        %parallel_loop3A_363 = arith.index_cast %parallel_loop3A_361 : i32 to index
        %parallel_loop3A_364 = arith.index_cast %parallel_loop3A_173 : i32 to index
        %parallel_loop3A_365 = tpu.vector_load %arg9[%parallel_loop3A_362, %parallel_loop3A_363, %parallel_loop3A_364] {strides = array<i32>} : memref<2x4x2048xi32, #tpu.memory_space<vmem>>, vector<1x1x16xi32>,
        %parallel_loop3A_366 = vector.shape_cast %parallel_loop3A_365 : vector<1x1x16xi32> to vector<16xi32>
        %parallel_loop3A_367 = vector.shape_cast %parallel_loop3A_359 : vector<16xi32> to vector<1x1x16xi32>
        tpu.vector_store %arg9[%parallel_loop3A_362, %parallel_loop3A_363, %parallel_loop3A_364], %parallel_loop3A_367 {strides = array<i32>} : memref<2x4x2048xi32, #tpu.memory_space<vmem>>, vector<1x1x16xi32>,
        %parallel_loop3A_368 = arith.constant 1 : i32
        %parallel_loop3A_369 = arith.constant 3 : i32
        %parallel_loop3A_370 = arith.index_cast %parallel_loop3A_368 : i32 to index
        %parallel_loop3A_371 = arith.index_cast %parallel_loop3A_369 : i32 to index
        %parallel_loop3A_372 = arith.index_cast %parallel_loop3A_173 : i32 to index
        %parallel_loop3A_373 = tpu.vector_load %arg8[%parallel_loop3A_370, %parallel_loop3A_371, %parallel_loop3A_372] {strides = array<i32>} : memref<2x4x2048xf32, #tpu.memory_space<vmem>>, vector<1x1x16xf32>,
        %parallel_loop3A_374 = vector.shape_cast %parallel_loop3A_373 : vector<1x1x16xf32> to vector<16xf32>
        %parallel_loop3A_375 = arith.cmpf ogt, %parallel_loop3A_374, %parallel_loop3A_178 : vector<16xf32>
        %parallel_loop3A_376 = arith.cmpf ogt, %parallel_loop3A_374, %parallel_loop3A_183 : vector<16xf32>
        %parallel_loop3A_377 = arith.cmpf ogt, %parallel_loop3A_374, %parallel_loop3A_188 : vector<16xf32>
        %parallel_loop3A_378 = arith.cmpf ogt, %parallel_loop3A_374, %parallel_loop3A_193 : vector<16xf32>
        %parallel_loop3A_379 = arith.cmpf ogt, %parallel_loop3A_374, %parallel_loop3A_198 : vector<16xf32>
        %parallel_loop3A_380 = arith.cmpf ogt, %parallel_loop3A_374, %parallel_loop3A_203 : vector<16xf32>
        %parallel_loop3A_381 = arith.cmpf ogt, %parallel_loop3A_374, %parallel_loop3A_208 : vector<16xf32>
        %parallel_loop3A_382 = arith.cmpf ogt, %parallel_loop3A_374, %parallel_loop3A_213 : vector<16xf32>
        %parallel_loop3A_383 = arith.cmpf ogt, %parallel_loop3A_374, %parallel_loop3A_218 : vector<16xf32>
        %parallel_loop3A_384 = arith.select %parallel_loop3A_382, %parallel_loop3A_263, %parallel_loop3A_258 : vector<16xi1>, vector<16xi32>
        %parallel_loop3A_385 = arith.select %parallel_loop3A_383, %parallel_loop3A_268, %parallel_loop3A_384 : vector<16xi1>, vector<16xi32>
        %parallel_loop3A_386 = arith.select %parallel_loop3A_380, %parallel_loop3A_253, %parallel_loop3A_248 : vector<16xi1>, vector<16xi32>
        %parallel_loop3A_387 = arith.select %parallel_loop3A_381, %parallel_loop3A_385, %parallel_loop3A_386 : vector<16xi1>, vector<16xi32>
        %parallel_loop3A_388 = arith.select %parallel_loop3A_377, %parallel_loop3A_238, %parallel_loop3A_233 : vector<16xi1>, vector<16xi32>
        %parallel_loop3A_389 = arith.select %parallel_loop3A_378, %parallel_loop3A_243, %parallel_loop3A_388 : vector<16xi1>, vector<16xi32>
        %parallel_loop3A_390 = arith.select %parallel_loop3A_375, %parallel_loop3A_228, %parallel_loop3A_223 : vector<16xi1>, vector<16xi32>
        %parallel_loop3A_391 = arith.select %parallel_loop3A_376, %parallel_loop3A_389, %parallel_loop3A_390 : vector<16xi1>, vector<16xi32>
        %parallel_loop3A_392 = arith.select %parallel_loop3A_379, %parallel_loop3A_387, %parallel_loop3A_391 : vector<16xi1>, vector<16xi32>
        %parallel_loop3A_393 = arith.constant 1 : i32
        %parallel_loop3A_394 = arith.constant 3 : i32
        %parallel_loop3A_395 = arith.index_cast %parallel_loop3A_393 : i32 to index
        %parallel_loop3A_396 = arith.index_cast %parallel_loop3A_394 : i32 to index
        %parallel_loop3A_397 = arith.index_cast %parallel_loop3A_173 : i32 to index
        %parallel_loop3A_398 = tpu.vector_load %arg9[%parallel_loop3A_395, %parallel_loop3A_396, %parallel_loop3A_397] {strides = array<i32>} : memref<2x4x2048xi32, #tpu.memory_space<vmem>>, vector<1x1x16xi32>,
        %parallel_loop3A_399 = vector.shape_cast %parallel_loop3A_398 : vector<1x1x16xi32> to vector<16xi32>
        %parallel_loop3A_400 = vector.shape_cast %parallel_loop3A_392 : vector<16xi32> to vector<1x1x16xi32>
        tpu.vector_store %arg9[%parallel_loop3A_395, %parallel_loop3A_396, %parallel_loop3A_397], %parallel_loop3A_400 {strides = array<i32>} : memref<2x4x2048xi32, #tpu.memory_space<vmem>>, vector<1x1x16xi32>,
      } {sc.loop_unroll_factor = 1 : i64, sc.parallel_access}
      %mul3A_151 = arith.constant 4 : i32
      %mul3A_152 = arith.muli %add3A_116, %mul3A_151 : i32
      %add3A_153 = arith.addi %mul3A_2, %mul3A_152 : i32
      %dma_start3A_154 = arith.constant 1 : i32
      %dma_start3A_155 = arith.constant 1 : i32
      %dma_start3A_156 = arith.constant 0 : i32
      %dma_start3A_157 = arith.constant 0 : i32
      %dma_start3A_158 = tpu.memref_slice %arg9[%dma_start3A_154, %dma_start3A_156, %dma_start3A_157] : memref<2x4x2048xi32, #tpu.memory_space<vmem>> -> memref<1x4x2048xi32, #tpu.memory_space<vmem>>
      %dma_start3A_159 = tpu.memref_squeeze %dma_start3A_158 : memref<1x4x2048xi32, #tpu.memory_space<vmem>> -> memref<4x2048xi32, #tpu.memory_space<vmem>>
      %dma_start3A_160 = arith.constant 0 : i32
      %dma_start3A_161 = tpu.memref_slice %arg5[%add3A_153, %dma_start3A_160] : memref<8192x2048xi32, #tpu.memory_space<hbm>> -> memref<4x2048xi32, #tpu.memory_space<hbm>>
      %dma_start3A_162 = tpu.memref_slice %arg11[%dma_start3A_155] : memref<2x!tpu.dma_semaphore, #tpu.memory_space<semaphore_mem>> -> memref<1x!tpu.dma_semaphore, #tpu.memory_space<semaphore_mem>>
      %dma_start3A_163 = tpu.memref_squeeze %dma_start3A_162 : memref<1x!tpu.dma_semaphore, #tpu.memory_space<semaphore_mem>> -> memref<!tpu.dma_semaphore, #tpu.memory_space<semaphore_mem>>
      %dma_start3A_164 = arith.constant 0 : i32
      %dma_start3A_165 = tpu.memref_slice %arg5[%add3A_153, %dma_start3A_164] : memref<8192x2048xi32, #tpu.memory_space<hbm>> -> memref<4x2048xi32, #tpu.memory_space<hbm>>
      %dma_start3A_166 = arith.constant 0 : i32
      %dma_start3A_167 = arith.constant 0 : i32
      %dma_start3A_168 = tpu.memref_slice %arg9[%dma_start3A_154, %dma_start3A_166, %dma_start3A_167] : memref<2x4x2048xi32, #tpu.memory_space<vmem>> -> memref<1x4x2048xi32, #tpu.memory_space<vmem>>
      %dma_start3A_169 = tpu.memref_squeeze %dma_start3A_168 : memref<1x4x2048xi32, #tpu.memory_space<vmem>> -> memref<4x2048xi32, #tpu.memory_space<vmem>>
      tpu.enqueue_dma source(%dma_start3A_169 : memref<4x2048xi32, #tpu.memory_space<vmem>>) target(%dma_start3A_165 : memref<4x2048xi32, #tpu.memory_space<hbm>>) target_semaphore(%dma_start3A_163 : memref<!tpu.dma_semaphore, #tpu.memory_space<semaphore_mem>>)
    }
    %scan3A_24 = arith.constant 32 : i32
    %add3A_25 = arith.constant 248 : i32
    %add3A_26 = arith.addi %mul3A_2, %add3A_25 : i32
    %dma_wait3A = arith.constant 0 : i32
    %dma_wait3A_27 = arith.constant 0 : i32
    %dma_wait3A_28 = arith.constant 0 : i32
    %dma_wait3A_29 = arith.constant 0 : i32
    %dma_wait3A_30 = tpu.memref_slice %arg9[%dma_wait3A, %dma_wait3A_28, %dma_wait3A_29] : memref<2x4x2048xi32, #tpu.memory_space<vmem>> -> memref<1x4x2048xi32, #tpu.memory_space<vmem>>
    %dma_wait3A_31 = tpu.memref_squeeze %dma_wait3A_30 : memref<1x4x2048xi32, #tpu.memory_space<vmem>> -> memref<4x2048xi32, #tpu.memory_space<vmem>>
    %dma_wait3A_32 = arith.constant 0 : i32
    %dma_wait3A_33 = tpu.memref_slice %arg5[%add3A_26, %dma_wait3A_32] : memref<8192x2048xi32, #tpu.memory_space<hbm>> -> memref<4x2048xi32, #tpu.memory_space<hbm>>
    %dma_wait3A_34 = tpu.memref_slice %arg11[%dma_wait3A_27] : memref<2x!tpu.dma_semaphore, #tpu.memory_space<semaphore_mem>> -> memref<1x!tpu.dma_semaphore, #tpu.memory_space<semaphore_mem>>
    %dma_wait3A_35 = tpu.memref_squeeze %dma_wait3A_34 : memref<1x!tpu.dma_semaphore, #tpu.memory_space<semaphore_mem>> -> memref<!tpu.dma_semaphore, #tpu.memory_space<semaphore_mem>>
    %dma_wait3A_36 = arith.constant 0 : i32
    %dma_wait3A_37 = tpu.memref_slice %arg5[%add3A_26, %dma_wait3A_36] : memref<8192x2048xi32, #tpu.memory_space<hbm>> -> memref<4x2048xi32, #tpu.memory_space<hbm>>
    %dma_wait3A_38 = arith.constant 0 : i32
    %dma_wait3A_39 = arith.constant 0 : i32
    %dma_wait3A_40 = tpu.memref_slice %arg9[%dma_wait3A, %dma_wait3A_38, %dma_wait3A_39] : memref<2x4x2048xi32, #tpu.memory_space<vmem>> -> memref<1x4x2048xi32, #tpu.memory_space<vmem>>
    %dma_wait3A_41 = tpu.memref_squeeze %dma_wait3A_40 : memref<1x4x2048xi32, #tpu.memory_space<vmem>> -> memref<4x2048xi32, #tpu.memory_space<vmem>>
    tpu.wait_dma2 semaphore(%dma_wait3A_35 : memref<!tpu.dma_semaphore, #tpu.memory_space<semaphore_mem>>) src(%dma_wait3A_41 : memref<4x2048xi32, #tpu.memory_space<vmem>>) dst(%dma_wait3A_37 : memref<4x2048xi32, #tpu.memory_space<hbm>>)
    %add3A_42 = arith.constant 252 : i32
    %add3A_43 = arith.addi %mul3A_2, %add3A_42 : i32
    %dma_wait3A_44 = arith.constant 1 : i32
    %dma_wait3A_45 = arith.constant 1 : i32
    %dma_wait3A_46 = arith.constant 0 : i32
    %dma_wait3A_47 = arith.constant 0 : i32
    %dma_wait3A_48 = tpu.memref_slice %arg9[%dma_wait3A_44, %dma_wait3A_46, %dma_wait3A_47] : memref<2x4x2048xi32, #tpu.memory_space<vmem>> -> memref<1x4x2048xi32, #tpu.memory_space<vmem>>
    %dma_wait3A_49 = tpu.memref_squeeze %dma_wait3A_48 : memref<1x4x2048xi32, #tpu.memory_space<vmem>> -> memref<4x2048xi32, #tpu.memory_space<vmem>>
    %dma_wait3A_50 = arith.constant 0 : i32
    %dma_wait3A_51 = tpu.memref_slice %arg5[%add3A_43, %dma_wait3A_50] : memref<8192x2048xi32, #tpu.memory_space<hbm>> -> memref<4x2048xi32, #tpu.memory_space<hbm>>
    %dma_wait3A_52 = tpu.memref_slice %arg11[%dma_wait3A_45] : memref<2x!tpu.dma_semaphore, #tpu.memory_space<semaphore_mem>> -> memref<1x!tpu.dma_semaphore, #tpu.memory_space<semaphore_mem>>
    %dma_wait3A_53 = tpu.memref_squeeze %dma_wait3A_52 : memref<1x!tpu.dma_semaphore, #tpu.memory_space<semaphore_mem>> -> memref<!tpu.dma_semaphore, #tpu.memory_space<semaphore_mem>>
    %dma_wait3A_54 = arith.constant 0 : i32
    %dma_wait3A_55 = tpu.memref_slice %arg5[%add3A_43, %dma_wait3A_54] : memref<8192x2048xi32, #tpu.memory_space<hbm>> -> memref<4x2048xi32, #tpu.memory_space<hbm>>
    %dma_wait3A_56 = arith.constant 0 : i32
    %dma_wait3A_57 = arith.constant 0 : i32
    %dma_wait3A_58 = tpu.memref_slice %arg9[%dma_wait3A_44, %dma_wait3A_56, %dma_wait3A_57] : memref<2x4x2048xi32, #tpu.memory_space<vmem>> -> memref<1x4x2048xi32, #tpu.memory_space<vmem>>
    %dma_wait3A_59 = tpu.memref_squeeze %dma_wait3A_58 : memref<1x4x2048xi32, #tpu.memory_space<vmem>> -> memref<4x2048xi32, #tpu.memory_space<vmem>>
    tpu.wait_dma2 semaphore(%dma_wait3A_53 : memref<!tpu.dma_semaphore, #tpu.memory_space<semaphore_mem>>) src(%dma_wait3A_59 : memref<4x2048xi32, #tpu.memory_space<vmem>>) dst(%dma_wait3A_55 : memref<4x2048xi32, #tpu.memory_space<hbm>>)
    return
  }
}

</mosaic_0001>

<sc_bundles>
// kernel: kernel.3.cloned.1.call-start
scs
__scs_entry_jumppad:
0x0: {  	(pc) =	sbr.rel $0x88, $3  }
0x1: {  	(tag) =	ssettag $0x0;
	lr =	simm.s32 $0x1  }
0x2: {  	[smem:$0x3FA0] =	sst lr;
	_ =	strace $0xD0000000  }
0x3: {  	_ = 	snop  }
0x4: {  	_ = 	snop  }
0x5: {  	_ = 	snop  }
0x6: {  	_ = 	snop  }
0x7: {  	_ = 	snop  }
__scs_overlays_trampoline_lowered:
0x8: {  	[smem:$0x3FAF] =	sst s0  }
0x9: {  	[smem:$0x3FB0] =	sst s1  }
0xa: {  	[smem:$0x3FB1] =	sst s2  }
0xb: {  	[smem:$0x3FB2] =	sst s3  }
0xc: {  	[smem:$0x3FB3] =	sst s4  }
0xd: {  	[smem:$0x3FB4] =	sst s5  }
0xe: {  	[smem:$0x3FB5] =	sst s6  }
0xf: {  	[smem:$0x3FB6] =	sst s7  }
0x10: {  	[smem:$0x3FB7] =	sst s8  }
0x11: {  	[smem:$0x3FB8] =	sst s9;
	s0 =	simm.s32 @!p0 $0x0  }
0x12: {  	s1 =	sld [smem:$0x3F9E];
	s0 =	simm.s32 @p0 $0x1  }
0x13: {  	[smem:$0x3FB9] =	sst s0;
	s0 =	simm.s32 @!p1 $0x0  }
0x14: {  	s2 =	sld [smem:$0x3F9D];
	s0 =	simm.s32 @p1 $0x1  }
0x15: {  	[smem:$0x3FBA] =	sst s0;
	s0 =	simm.s32 @!p2 $0x0  }
0x16: {  	s3 =	sld [smem:$0x3FDB];
	s0 =	simm.s32 @p2 $0x1  }
0x17: {  	s4 =	simm.s32 $0x1BF5;
	[smem:$0x3FBC] =	sst s0  }
0x18: {  	s0 =	sld [smem:$0x3F9F];
	_ =	swait.ge [sflag:s4], $0x0  }
0x19: {  	s7 =	sld [smem:$0x3FA0]  }
0x1a: {  	s8 =	sadd.s32 $0xFFFFE003, lr  }
0x1b: {  	s9 =	sadd.s32 $0xFFFFFEF7, lr;
	s5 =	simm.s32 $0xFFFFFFFF;
	p2 =	slt.u32 s8, $0xFFFFF086  }
0x1c: {  	p1 =	slt.u32 s9, $0xF7A;
	s5 =	simm.s32 @!p2 $0x0  }
0x1d: {  	s5 =	simm.s32 @p1 $0x1;
	p0 =	seq.s32 s7, s2  }
0x1e: {  	s7 =	smul.u32 @!p0 $0xF7A, s2;
	p2 =	seq.s32 @!p0 s5, $0x0  }
0x1f: {  	s9 =	smul.u32 $0xF7A, s1;
	s8 =	simm.s32 @!p0 $0x1BF5;
	p2 =	por !p2, p0  }
0x20: {  	[sflag:s8] =	ssyncset.s32 @!p0 $0xFFFFF086;
	s6 =	sadd.s32 @!p0 s3, s7;
	s7 =	simm.s32 @!p0 $0x108  }
0x21: {  	s3 =	sadd.s32 s3, s9;
	s6 =	sadd.s32 @!p0 $0x88, s6;
	s7 =	simm.s32 @p2 $0x1082  }
0x22: {  	[simem:s7], [sflag:s8] =	dma.local @!p0 [hbm:s6], $0xF7A  }
0x23: {  	s9 =	sor.u32 $0xD0000000, s2;
	s6 =	simm.s32 $0x108;
	_ =	swait.ge @!p0 [sflag:s8], $0x0  }
0x24: {  	s3 =	sadd.s32 $0x88, s3;
	s6 =	simm.s32 @!p1 $0x1082;
	[sflag:s4] =	ssyncset.s32 $0xFFFFF086  }
0x25: {  	[simem:s6], [sflag:s4] =	dma.local [hbm:s3], $0xF7A  }
0x26: {  	[smem:$0x3FA0] =	sst s1;
	(tag) =	ssettag s2;
	_ =	strace s9  }
0x27: {  	s1 =	sld [smem:$0x3FB0]  }
0x28: {  	s2 =	sld [smem:$0x3FB1]  }
0x29: {  	s4 =	sld [smem:$0x3FB3]  }
0x2a: {  	p0 =	seq.s32 s5, $0x0;
	s5 =	sld [smem:$0x3FB4]  }
0x2b: {  	s6 =	sld [smem:$0x3FB5]  }
0x2c: {  	s7 =	sld [smem:$0x3FB6]  }
0x2d: {  	s3 =	simm.s32 $0x108;
	s8 =	sld [smem:$0x3FB7]  }
0x2e: {  	s3 =	simm.s32 @!p0 $0x1082;
	s9 =	sld [smem:$0x3FB8]  }
0x2f: {  	lr =	sadd.s32 s0, s3;
	s0 =	sld [smem:$0x3FAF]  }
0x30: {  	s3 =	sld [smem:$0x3FB2]  }
0x31: {  	[smem:$0x3FBB] =	sst s10  }
0x32: {  	s10 =	sld [smem:$0x3FB9];
	_ =	sdelay $0x3  }
0x33: {  	p0 =	seq.s32 s10, $0x1;
	s10 =	sld [smem:$0x3FBB];
	_ =	sdelay $0x3  }
0x34: {  	[smem:$0x3FBB] =	sst s10  }
0x35: {  	s10 =	sld [smem:$0x3FBA];
	_ =	sdelay $0x3  }
0x36: {  	p1 =	seq.s32 s10, $0x1;
	s10 =	sld [smem:$0x3FBB];
	_ =	sdelay $0x3  }
0x37: {  	[smem:$0x3FBB] =	sst s10  }
0x38: {  	s10 =	sld [smem:$0x3FBC]  }
0x39: {  	_ = 	snop;
	(pc) =	sbr.ind lr, $3  }
0x3a: {  	_ = 	snop  }
0x3b: {  	_ = 	snop  }
0x3c: {  	p2 =	seq.s32 s10, $0x1;
	s10 =	sld [smem:$0x3FBB]  }
0x3d: {  	_ =	shalt  }
0x3e: {  	_ =	shalt  }
0x3f: {  	_ =	shalt  }
0x40: {  	_ =	shalt  }
0x41: {  	_ =	shalt  }
0x42: {  	_ =	shalt  }
0x43: {  	_ =	shalt  }
0x44: {  	_ =	shalt  }
0x45: {  	_ =	shalt  }
0x46: {  	_ =	shalt  }
0x47: {  	_ =	shalt  }
0x48: {  	_ =	shalt  }
0x49: {  	_ =	shalt  }
0x4a: {  	_ =	shalt  }
0x4b: {  	_ =	shalt  }
0x4c: {  	_ =	shalt  }
0x4d: {  	_ =	shalt  }
0x4e: {  	_ =	shalt  }
0x4f: {  	_ =	shalt  }
0x50: {  	_ =	shalt  }
0x51: {  	_ =	shalt  }
0x52: {  	_ =	shalt  }
0x53: {  	_ =	shalt  }
0x54: {  	_ =	shalt  }
0x55: {  	_ =	shalt  }
0x56: {  	_ =	shalt  }
0x57: {  	_ =	shalt  }
0x58: {  	_ =	shalt  }
0x59: {  	_ =	shalt  }
0x5a: {  	_ =	shalt  }
0x5b: {  	_ =	shalt  }
0x5c: {  	_ =	shalt  }
0x5d: {  	_ =	shalt  }
0x5e: {  	_ =	shalt  }
0x5f: {  	_ =	shalt  }
0x60: {  	_ =	shalt  }
0x61: {  	_ =	shalt  }
0x62: {  	_ =	shalt  }
0x63: {  	_ =	shalt  }
0x64: {  	_ =	shalt  }
0x65: {  	_ =	shalt  }
0x66: {  	_ =	shalt  }
0x67: {  	_ =	shalt  }
0x68: {  	_ =	shalt  }
0x69: {  	_ =	shalt  }
0x6a: {  	_ =	shalt  }
0x6b: {  	_ =	shalt  }
0x6c: {  	_ =	shalt  }
0x6d: {  	_ =	shalt  }
0x6e: {  	_ =	shalt  }
0x6f: {  	_ =	shalt  }
0x70: {  	_ =	shalt  }
0x71: {  	_ =	shalt  }
0x72: {  	_ =	shalt  }
0x73: {  	_ =	shalt  }
0x74: {  	_ =	shalt  }
0x75: {  	_ =	shalt  }
0x76: {  	_ =	shalt  }
0x77: {  	_ =	shalt  }
0x78: {  	_ =	shalt  }
0x79: {  	_ =	shalt  }
0x7a: {  	_ =	shalt  }
0x7b: {  	_ =	shalt  }
0x7c: {  	_ =	shalt  }
0x7d: {  	_ =	shalt  }
0x7e: {  	_ =	shalt  }
0x7f: {  	_ =	shalt  }
0x80: {  	_ =	shalt  }
0x81: {  	_ =	shalt  }
0x82: {  	_ =	shalt  }
0x83: {  	_ =	shalt  }
0x84: {  	_ =	shalt  }
0x85: {  	_ =	shalt  }
0x86: {  	_ =	shalt  }
0x87: {  	_ =	shalt  }
.Lfunc_end0:
.L_simem_size_0:
called_computation_lowered:
.L_overlay_start_0:
0x88: {  	s2 =	sld [smem:$0x3FD9]  }
0x89: {  	s3 =	sld [smem:$0x3FFE];
	_ =	sdelay $0x1  }
0x8a: {  	s1 =	srdreg.scid  }
0x8b: {  	s0 =	sand.u32 $0x1, s1  }
0x8c: {  	s17 =	sshll.u32 s0, $0xA;
	s2 =	sadd.s32 s3, s2  }
0x8d: {  	s2 =	sadd.s32 s2, s17  }
0x8e: {  	[smem:$0x3FC7] =	sst s2  }
0x8f: {  	_ = 	snop  }
0x90: {  	s2 =	sld [smem:$0x3FC9]  }
0x91: {  	s18 =	sld [smem:$0x3FD0];
	(tm) =	ssettm $0x1  }
0x92: {  	s4 =	sld [smem:$0x3FFB];
	_ =	sdelay $0x3  }
0x93: {  	_ =	strace s4  }
0x94: {  	s4 =	sld [smem:$0x3FFC];
	_ =	sdelay $0x3  }
0x95: {  	_ =	strace s4  }
0x96: {  	s4 =	sld [smem:$0x3FFD];
	_ =	sdelay $0x3  }
0x97: {  	_ =	strace s4  }
0x98: {  	_ =	strace $0x8FFFFFFF  }
0x99: {  	s19 =	sld [smem:$0x3FDB];
	_ =	sdelay $0x1  }
0x9a: {  	s5 =	simm.s32 $_scs_section_size  }
0x9b: {  	s6 =	simm.s32 $_size__tile_overlayer_lowered;
	s7 =	simm.s32 $_tile_overlayer_lowered  }
0x9c: {  	s22 =	simm.s32 $0x1BFF;
	s21 =	sshll.u32 s7, $0x1;
	s4 =	sadd.s32 s5, s19  }
0x9d: {  	s8 =	simm.s32 $0x0;
	s20 =	sshll.u32 s6, $0x1;
	s6 =	sadd.s32 s21, s4  }
0x9e: {  	[timem:s8], [sflag:s22] =	dma.local [hbm:s6], s20  }
0x9f: {  	_ =	swait.ge [sflag:s22], s20  }
0xa0: {  	s5 =	ssub.s32 $0x0, s20;
	[sflag:s22] =	ssyncset.done $0x0  }
0xa1: {  	[sflag:s22] =	ssyncadd.s32 s5;
	_ =	sdelay $0x1  }
0xa2: {  	s23 =	simm.s32 $0x1B8B  }
0xa3: {  	_ =	swait.ge [sflag:s23], $0x1  }
0xa4: {  	[sflag:s23] =	ssyncset.done $0x0  }
0xa5: {  	s25 =	simm.s32 $0x1B8E;
	s24 =	sld [smem:$0x3FFE];
	[sflag:s23] =	ssyncadd.s32 $0xFFFFFFFF  }
0xa6: {  	s26 =	simm.s32 $execute0_lowered;
	[smem:$0x3FD2] =	sst s25  }
0xa7: {  	s6 =	sshll.u32 s26, $0x1;
	_ =	strace $0x80000046;
	[dreg:$0x1] =	wrdreg $0xFFFFFFFF  }
0xa8: {  	s28 =	simm.s32 $_size_execute0_lowered;
	s4 =	sadd.s32 s4, s6;
	[dreg:$0x0] =	wrdreg $0x0  }
0xa9: {  	s6 =	sshll.u32 s28, $0x1;
	[dreg:$0x2] =	wrdreg s4  }
0xaa: {  	[dreg:$0x3] =	wrdreg s6  }
0xab: {  	[dreg:$0x4] =	wrdreg $0xC0  }
0xac: {  	_ =	task [dreg:s8], $0x5FFFF  }
0xad: {  	[dreg:$0x1] =	wrdreg $0xFFFFFFFF  }
0xae: {  	[dreg:$0x0] =	wrdreg $0x60  }
0xaf: {  	[dreg:$0x2] =	wrdreg s2  }
0xb0: {  	[dreg:$0x3] =	wrdreg s24  }
0xb1: {  	[dreg:$0x4] =	wrdreg s18  }
0xb2: {  	[dreg:$0x5] =	wrdreg $0x9  }
0xb3: {  	_ =	task.clear_ibuf [dreg:s8], $0x6FFFF;
	_ =	strace $0x90000046  }
0xb4: {  	s29 =	simm.s32 $0x9;
	_ =	strace $0x80000048  }
0xb5: {  	_ =	swait.ge [sflag:s29], $0x1  }
0xb6: {  	[sflag:s29] =	ssyncadd.s32 $0xFFFFFFFF  }
0xb7: {  	_ =	strace $0x90000048  }
0xb8: {  	_ =	sfence  }
0xb9: {  	s30 =	sld [smem:$0x0];
	_ =	sdelay $0x2  }
0xba: {  	s31 =	sshll.u32 s1, $0xD;
	s1 =	sshrl.u32 s1, $0x2  }
0xbb: {  	s3 =	sand.u32 $0x4000, s31;
	s1 =	sadd.s32 s1, s30  }
0xbc: {  	s0 =	sor.u32 s3, s0;
	s1 =	sshll.u32 s1, $0x11  }
0xbd: {  	s0 =	sor.u32 s1, s0  }
0xbe: {  	s0 =	sadd.s32 $0x8F2B, s0  }
0xbf: {  	[sflag:s0] =	ssyncadd.remote.s32 $0x1  }
0xc0: {  	_ =	sfence.sel $0xFFFF  }
0xc1: {  	[dreg:$0x0] =	wrdreg $0xFFFFFFFF;
	(pc) =	sbr.abs _section_cstart, $3  }
0xc2: {  	[dreg:$0x1] =	wrdreg $0xFFFFFFFF  }
0xc3: {  	_ =	task.clear_ibuf [dreg:s8], $0x2FFFF;
	_ =	strace $0x9FFFFFFF  }
0xc4: {  	(tm) =	ssettm $0x7FFFFFFF  }
0xc5: {  	_ =	shalt  }
tec
execute0_lowered:
.L_overlay_start_1:
0x0: {  	(tag) =	ssettag $0x1  }
0x1: {  	s1 =	rddreg [dreg:$0x0]  }
0x2: {  	s6 =	rddreg [dreg:$0x1]  }
0x3: {  	s4 =	rddreg [dreg:$0x2];
	s0 =	srdreg.scid  }
0x4: {  	s2 =	stileid.u32;
	s5 =	simm.s32 $0x0;
	s12 =	simm.s32 $0x5  }
0x5: {  	s14 =	simm.s32 $0x200;
	s15 =	simm.s32 $0x400;
	s16 =	simm.s32 $0x10000  }
0x6: {  	s17 =	simm.s32 $0x12000;
	s18 =	simm.s32 $0x1;
	s19 =	simm.s32 $0x14000  }
0x7: {  	s20 =	simm.s32 $0x2;
	s21 =	simm.s32 $0x4;
	s22 =	simm.s32 $0x16000  }
0x8: {  	s23 =	simm.s32 $0x3;
	s24 =	simm.s32 $0x0;
	s0 =	sand.u32 $0x1, s0  }
0x9: {  	s2 =	sshll.u32 s2, $0x9;
	[smem:$0x7FF] =	sst s5;
	s3 =	sshll.u32 s0, $0x8  }
0xa: {  	s6 =	sadd.s32 $0x1000, s6;
	s0 =	ssub.s32 $0x2, s0;
	s2 =	sor.u32 s3, s2  }
0xb: {  	_ =	strace $0x80000047;
	s8 =	sshrl.u32 s0, $0x1;
	s3 =	sshll.u32 s2, $0x8  }
0xc: {  	s0 =	ssub.s32 s0, s8;
	s8 =	sshrl.u32 s2, $0x3;
	s7 =	sadd.s32 s1, s3  }
0xd: {  	s10 =	smax.u32 s0, $0x1;
	s11 =	sor.u32 $0x40, s3;
	s9 =	sadd.s32 $0x800, s7  }
.LBB2_1:
0xe: {  	s0 =	rddreg [dreg:$0x1]  }
0xf: {  	[tilespmem:s5], [sflag:$0x5] =	stream.linear.gather [hbm4b:s0+s5], $0x8000, $0x38;
	[tilespmem:$0x18000] =	vst v63  }
0x10: {  	_ =	swait.ge [sflag:s12], $0x8000  }
0x11: {  	[sflag:s12] =	ssyncset.done $0x0  }
0x12: {  	s31 =	simm.s32 $0x8000;
	[sflag:s12] =	ssyncadd.s32 $0xFFFF8000  }
0x13: {  	[tilespmem:s31], [sflag:$0x5] =	stream.linear.gather [hbm4b:s6+s5], $0x8000, $0x38;
	[tilespmem:$0x18000] =	vst v63  }
0x14: {  	_ =	swait.ge [sflag:s12], $0x8000  }
0x15: {  	[sflag:s12] =	ssyncset.done $0x0  }
0x16: {  	s25 =	simm.s32 $0x0;
	[sflag:s12] =	ssyncadd.s32 $0xFFFF8000  }
0x17: {  	[tilespmem:s16], [sflag:$0x1] =	stream.strided.gather [hbm4b:s7+s14], $0x2000, s15, s14, $0x38;
	[tilespmem:$0x18000] =	vst v63  }
.LBB2_2:
0x18: {  	s28 =	sshll.u32 s25, $0xB  }
0x19: {  	s26 =	sor.u32 s11, s28  }
0x1a: {  	s0 =	sadd.s32 s1, s26  }
0x1b: {  	[tilespmem:s17], [sflag:$0x2] =	stream.strided.gather [hbm4b:s0+s14], $0x2000, s15, s14, $0x38;
	[tilespmem:$0x18000] =	vst v63  }
0x1c: {  	_ =	swait.ge [sflag:s18], $0x2000  }
0x1d: {  	p0 =	seq.s32 s25, $0x0;
	[sflag:s18] =	ssyncset.done $0x0  }
0x1e: {  	s0 =	simm.s32 @!p0 $0x3;
	[sflag:s18] =	ssyncadd.s32 $0xFFFFE000  }
0x1f: {  	s2 =	simm.s32 $0x0;
	_ =	swait.ge @!p0 [sflag:s0], $0x2000  }
0x20: {  	s3 =	simm.s32 $0x0;
	s2 =	sand.u32 $0x70, s2;
	[sflag:s0] =	ssyncset.done @!p0 $0x0  }
0x21: {  	[sflag:s0] =	ssyncadd.s32 @!p0 $0xFFFFE000;
	s0 =	sor.u32 s2, s3  }
0x22: {  	v4 =	vld [tilespmem:s0+$0x80]  }
0x23: {  	v3 =	vld [tilespmem:s0+$0x300]  }
0x24: {  	v31 =	vld [tilespmem:s0+$0x8000]  }
0x25: {  	v32 =	vld [tilespmem:s0+$0x8080]  }
0x26: {  	v19 =	vld [tilespmem:s0+$0x8280]  }
0x27: {  	v26 =	vld [tilespmem:s0+$0x8300]  }
0x28: {  	v7 =	vld [tilespmem:s0+$0x0]  }
0x29: {  	v13 =	vld [tilespmem:s0+$0x180]  }
0x2a: {  	v15 =	vld [tilespmem:s0+$0x280]  }
0x2b: {  	v6 =	vld [tilespmem:s0+$0x8100]  }
0x2c: {  	s13 =	simm.s32 $0x0;
	v18 =	vld [tilespmem:s0+$0x8180]  }
0x2d: {  	s29 =	sor.u32 s2, s13;
	v16 =	vld [tilespmem:s0+$0x8380]  }
0x2e: {  	v0 =	vld [tilespmem:s29+$0x10180]  }
0x2f: {  	v1 =	vld [tilespmem:s0+$0x100]  }
0x30: {  	v2 =	vld [tilespmem:s0+$0x380]  }
0x31: {  	v10 =	vld [tilespmem:s29+$0x10000]  }
0x32: {  	v11 =	vld [tilespmem:s29+$0x10080]  }
0x33: {  	v14 =	vld [tilespmem:s29+$0x10100]  }
0x34: {  	v20 =	vld [tilespmem:s0+$0xC000];
	s13 =	sor.u32 $0x4000, s0  }
0x35: {  	v21 =	vld [tilespmem:s13+$0x0];
	vm0 =	vgt.f32 v0, v4;
	vm1 =	vgt.f32 v0, v3  }
0x36: {  	v23 =	vld [tilespmem:s0+$0xC080];
	vm2 =	vgt.f32 v0, v7;
	vm3 =	vgt.f32 v0, v13;
	vm4 =	vgt.f32 v0, v15  }
0x37: {  	s31 =	simm.s32 $0x10;
	v5 =	vld [tilespmem:s0+$0x200];
	vm5 =	vgt.f32 v0, v1;
	vm6 =	vgt.f32 v0, v2;
	vm11 =	vgt.f32 v11, v2  }
0x38: {  	s2 =	sand.u32 $0x70, s31;
	s3 =	simm.s32 $0x0;
	v17 =	vld [tilespmem:s0+$0x8200];
	vm12 =	vgt.f32 v14, v2;
	vm13 =	vgt.f32 v10, v7;
	vm14 =	vgt.f32 v10, v13  }
0x39: {  	s0 =	sor.u32 s2, s3;
	vm15 =	vgt.f32 v11, v7;
	vm7 =	vgt.f32 v11, v13;
	vm8 =	vgt.f32 v11, v15  }
0x3a: {  	vm9 =	vgt.f32 v14, v7;
	v7 =	vld [tilespmem:s0+$0x280];
	vm10 =	vgt.f32 v0, v21;
	v9 =	vsel vm6, v20, v16  }
0x3b: {  	v8 =	vsel vm4, v26, v19;
	v12 =	vsel vm5, v18, v6;
	v22 =	vsel vm10, v23, v9;
	v9 =	vld [tilespmem:s0+$0x80]  }
0x3c: {  	v24 =	vsel vm2, v32, v31;
	vm2 =	vgt.f32 v0, v5;
	vm10 =	vgt.f32 v14, v13;
	v13 =	vld [tilespmem:s0+$0x8100]  }
0x3d: {  	v27 =	vsel vm11, v20, v16;
	v12 =	vsel vm3, v17, v12;
	v0 =	vsel vm1, v22, v8;
	v8 =	vld [tilespmem:s0+$0x300]  }
0x3e: {  	v30 =	vsel vm15, v32, v31;
	v12 =	vsel vm0, v12, v24;
	vm1 =	vgt.f32 v10, v2;
	v2 =	vld [tilespmem:s0+$0x8280]  }
0x3f: {  	vm3 =	vgt.f32 v11, v1;
	vm0 =	vgt.f32 v10, v1;
	v33 =	vsel vm2, v0, v12;
	v0 =	vld [tilespmem:s0+$0x8000]  }
0x40: {  	v28 =	vsel vm3, v18, v6;
	vm3 =	vgt.f32 v14, v21;
	vm2 =	vgt.f32 v10, v21;
	v12 =	vld [tilespmem:s0+$0x8080]  }
0x41: {  	v22 =	vsel vm1, v20, v16;
	vm1 =	vgt.f32 v14, v1;
	v1 =	vld [tilespmem:s0+$0x8200];
	v25 =	vsel vm0, v18, v6  }
0x42: {  	vm0 =	vgt.f32 v11, v21;
	v20 =	vsel vm12, v20, v16;
	v16 =	vld [tilespmem:s0+$0x8300];
	v29 =	vsel vm1, v18, v6  }
0x43: {  	v18 =	vld [tilespmem:s0+$0x0];
	vm1 =	vgt.f32 v10, v15;
	v24 =	vsel vm2, v23, v22;
	v25 =	vsel vm14, v17, v25  }
0x44: {  	v6 =	vld [tilespmem:s0+$0x180];
	vm2 =	vgt.f32 v14, v15;
	v21 =	vsel vm0, v23, v27;
	v22 =	vsel vm7, v17, v28  }
0x45: {  	v23 =	vsel vm3, v23, v20;
	v15 =	vld [tilespmem:s0+$0x8180];
	v28 =	vsel vm13, v32, v31;
	vm0 =	vgt.f32 v10, v4  }
0x46: {  	s13 =	simm.s32 $0x0;
	v31 =	vsel vm9, v32, v31;
	v27 =	vsel vm1, v26, v19;
	v20 =	vsel vm10, v17, v29;
	v17 =	vld [tilespmem:s0+$0x8380]  }
0x47: {  	s30 =	sadd.s32 s8, s25;
	s2 =	sor.u32 s2, s13;
	s13 =	simm.s32 $0x2;
	[tilespmem:s29+$0x14180] =	vst v33;
	v29 =	vsel vm8, v26, v19;
	v26 =	vsel vm2, v26, v19;
	v19 =	vld [tilespmem:s0+$0xC000];
	vm1 =	vgt.f32 v10, v3  }
.LBB2_3:
0x48: {  	p1 =	sne.s32 s13, $0x7F;
	v32 =	vld [tilespmem:s2+$0x10180];
	vm2 =	vgt.f32 v11, v4;
	vm3 =	vgt.f32 v11, v3;
	vm4 =	vgt.f32 v14, v4;
	v4 =	vmovc v9  }
0x49: {  	v9 =	vsel vm1, v24, v27;
	v24 =	vsel vm0, v25, v28;
	vm0 =	vgt.f32 v14, v3;
	v3 =	vmovc v8;
	v33 =	vld [tilespmem:s0+$0x100]  }
0x4a: {  	s3 =	sor.u32 $0x4000, s0;
	v34 =	vmovc v12;
	v8 =	vsel vm3, v21, v29;
	v27 =	vsel vm2, v22, v30;
	v22 =	vsel vm0, v23, v26;
	v25 =	vld [tilespmem:s0+$0x380]  }
0x4b: {  	vm1 =	vgt.f32 v11, v5;
	vm0 =	vgt.f32 v10, v5;
	v10 =	vsel vm4, v20, v31;
	v26 =	vmovc v16;
	v23 =	vld [tilespmem:s3+$0x0]  }
0x4c: {  	vm2 =	vgt.f32 v14, v5;
	v21 =	vmovc v18;
	v9 =	vsel vm0, v9, v24;
	v8 =	vsel vm1, v8, v27;
	v20 =	vld [tilespmem:s0+$0xC080]  }
0x4d: {  	v5 =	vld [tilespmem:s0+$0x200];
	vm0 =	vgt.f32 v32, v4;
	vm1 =	vgt.f32 v32, v3;
	[tilespmem:s29+$0x14000] =	vst v9;
	v9 =	vsel vm2, v22, v10  }
0x4e: {  	vm2 =	vgt.f32 v32, v21;
	vm3 =	vgt.f32 v32, v6;
	vm4 =	vgt.f32 v32, v7;
	v10 =	vld [tilespmem:s2+$0x10000];
	[tilespmem:s29+$0x14080] =	vst v8  }
0x4f: {  	s31 =	sadd.s32 $0x10, s31;
	s3 =	sshrl.u32 s13, $0x3;
	vm5 =	vgt.f32 v32, v33;
	v8 =	vsel vm4, v26, v2;
	v11 =	vld [tilespmem:s2+$0x10080];
	vm6 =	vgt.f32 v32, v25;
	[tilespmem:s29+$0x14100] =	vst v9;
	s29 =	smov.u32 s2  }
0x50: {  	s0 =	sshll.u32 s3, $0xA;
	s2 =	sand.u32 $0x70, s31;
	v12 =	vsel vm5, v15, v13;
	v14 =	vld [tilespmem:s29+$0x10100];
	vm4 =	vgt.f32 v32, v23;
	v9 =	vsel vm6, v19, v17  }
0x51: {  	v18 =	vsel vm2, v34, v0;
	s0 =	sor.u32 s2, s0;
	v12 =	vsel vm3, v1, v12;
	v16 =	vsel vm4, v20, v9  }
0x52: {  	v12 =	vsel vm0, v12, v18;
	v9 =	vld [tilespmem:s0+$0x80];
	vm2 =	vgt.f32 v32, v5;
	v16 =	vsel vm1, v16, v8  }
0x53: {  	v8 =	vld [tilespmem:s0+$0x300];
	vm1 =	vgt.f32 v10, v33;
	vm3 =	vgt.f32 v10, v25;
	v12 =	vsel vm2, v16, v12  }
0x54: {  	vm0 =	vgt.f32 v10, v23;
	v32 =	vld [tilespmem:s0+$0x8000];
	vm2 =	vgt.f32 v11, v33;
	vm4 =	vgt.f32 v11, v25;
	[tilespmem:s29+$0x14180] =	vst v12  }
0x55: {  	v22 =	vsel vm3, v19, v17;
	v12 =	vld [tilespmem:s0+$0x8080];
	vm3 =	vgt.f32 v14, v33;
	vm5 =	vgt.f32 v14, v25  }
0x56: {  	v25 =	vsel vm1, v15, v13;
	vm1 =	vgt.f32 v11, v23;
	v27 =	vsel vm4, v19, v17;
	v29 =	vld [tilespmem:s0+$0x8200]  }
0x57: {  	v28 =	vsel vm2, v15, v13;
	vm2 =	vgt.f32 v14, v23;
	v17 =	vsel vm5, v19, v17;
	v31 =	vld [tilespmem:s0+$0x8280]  }
0x58: {  	vm4 =	vgt.f32 v10, v21;
	vm5 =	vgt.f32 v10, v6;
	v19 =	vsel vm3, v15, v13;
	v16 =	vld [tilespmem:s0+$0x8300]  }
0x59: {  	vm6 =	vgt.f32 v11, v21;
	vm7 =	vgt.f32 v11, v6;
	vm3 =	vgt.f32 v10, v7;
	v18 =	vld [tilespmem:s0+$0x0]  }
0x5a: {  	vm8 =	vgt.f32 v11, v7;
	vm9 =	vgt.f32 v14, v21;
	vm10 =	vgt.f32 v14, v6;
	v6 =	vld [tilespmem:s0+$0x180]  }
.Ltmp0:
0x5b: {  	v24 =	vsel vm0, v20, v22;
	vm0 =	vgt.f32 v14, v7;
	v25 =	vsel vm5, v1, v25;
	v7 =	vld [tilespmem:s0+$0x280];
	(pc) =	sbr.rel @p1 .LBB2_3-.Ltmp0, $4  }
0x5c: {  	v21 =	vsel vm1, v20, v27;
	v22 =	vsel vm7, v1, v28;
	v23 =	vsel vm2, v20, v17;
	v13 =	vld [tilespmem:s0+$0x8100]  }
0x5d: {  	v28 =	vsel vm4, v34, v0;
	v27 =	vsel vm3, v26, v2;
	v20 =	vsel vm10, v1, v19;
	v1 =	vmovc v29;
	v15 =	vld [tilespmem:s0+$0x8180]  }
0x5e: {  	s3 =	sshll.u32 s3, $0x9;
	v30 =	vsel vm6, v34, v0;
	v29 =	vsel vm8, v26, v2;
	v26 =	vsel vm0, v26, v2;
	v2 =	vmovc v31;
	v17 =	vld [tilespmem:s0+$0x8380]  }
0x5f: {  	s13 =	sadd.s32 $0x1, s13;
	s2 =	sor.u32 s2, s3;
	vm1 =	vgt.f32 v10, v3;
	vm0 =	vgt.f32 v10, v4;
	v31 =	vsel vm9, v34, v0;
	v0 =	vmovc v32;
	v19 =	vld [tilespmem:s0+$0xC000]  }
0x60: {  	v32 =	vld [tilespmem:s2+$0x10180]  }
0x61: {  	v33 =	vld [tilespmem:s0+$0x100]  }
0x62: {  	vm2 =	vgt.f32 v11, v4;
	vm3 =	vgt.f32 v11, v3;
	vm4 =	vgt.f32 v14, v4;
	v34 =	vld [tilespmem:s0+$0x380]  }
0x63: {  	v24 =	vsel vm1, v24, v27;
	v25 =	vsel vm0, v25, v28;
	vm6 =	vgt.f32 v14, v3;
	v39 =	vld [tilespmem:s0+$0x200]  }
0x64: {  	vm7 =	vgt.f32 v10, v5;
	vm8 =	vgt.f32 v11, v5;
	vm9 =	vgt.f32 v14, v5;
	v40 =	vld [tilespmem:s2+$0x10000]  }
0x65: {  	s3 =	sor.u32 $0x4000, s0;
	v41 =	vld [tilespmem:s2+$0x10080];
	v21 =	vsel vm3, v21, v29;
	v22 =	vsel vm2, v22, v30;
	v23 =	vsel vm6, v23, v26  }
0x66: {  	v35 =	vld [tilespmem:s3+$0x0];
	v36 =	vsel vm4, v20, v31;
	v38 =	vsel vm7, v24, v25;
	v21 =	vsel vm8, v21, v22  }
0x67: {  	v10 =	vsel vm9, v23, v36;
	vm10 =	vgt.f32 v32, v9;
	vm11 =	vgt.f32 v32, v8  }
0x68: {  	v43 =	vld [tilespmem:s2+$0x10100];
	vm12 =	vgt.f32 v32, v18;
	vm13 =	vgt.f32 v32, v6;
	vm14 =	vgt.f32 v32, v7  }
0x69: {  	vm5 =	vgt.f32 v32, v33;
	vm6 =	vgt.f32 v32, v34;
	vm8 =	vgt.f32 v32, v39  }
0x6a: {  	v37 =	vld [tilespmem:s0+$0xC080];
	vm9 =	vgt.f32 v40, v33;
	vm4 =	vgt.f32 v40, v18;
	vm7 =	vgt.f32 v41, v6  }
0x6b: {  	v42 =	vsel vm14, v16, v2;
	vm15 =	vgt.f32 v32, v35;
	v44 =	vsel vm6, v19, v17  }
0x6c: {  	v45 =	vsel vm5, v15, v13;
	v46 =	vsel vm12, v12, v0;
	vm0 =	vgt.f32 v40, v35  }
0x6d: {  	vm12 =	vgt.f32 v41, v34;
	vm14 =	vgt.f32 v43, v34;
	v49 =	vsel vm9, v15, v13  }
0x6e: {  	vm1 =	vgt.f32 v41, v35;
	vm3 =	vgt.f32 v43, v35;
	vm9 =	vgt.f32 v43, v18  }
0x6f: {  	v57 =	vsel vm4, v12, v0;
	v25 =	vsel vm15, v37, v44;
	v27 =	vsel vm13, v1, v45  }
0x70: {  	vm13 =	vgt.f32 v43, v33;
	v50 =	vsel vm12, v19, v17;
	v52 =	vsel vm14, v19, v17  }
0x71: {  	vm15 =	vgt.f32 v40, v6;
	vm12 =	vgt.f32 v40, v7;
	vm14 =	vgt.f32 v43, v7  }
0x72: {  	v62 =	vsel vm9, v12, v0;
	vm9 =	vgt.f32 v41, v9;
	v23 =	vsel vm11, v25, v42  }
0x73: {  	v47 =	vsel vm10, v27, v46;
	vm10 =	vgt.f32 v40, v34;
	vm11 =	vgt.f32 v41, v33  }
0x74: {  	v53 =	vsel vm13, v15, v13;
	vm13 =	vgt.f32 v41, v18;
	v3 =	vsel vm15, v1, v49  }
0x75: {  	v4 =	vsel vm1, v37, v50;
	v11 =	vsel vm3, v37, v52;
	v56 =	vsel vm12, v16, v2  }
0x76: {  	v61 =	vsel vm14, v16, v2;
	vm15 =	vgt.f32 v40, v9;
	vm12 =	vgt.f32 v43, v8  }
0x77: {  	vm14 =	vgt.f32 v41, v39;
	v23 =	vsel vm8, v23, v47;
	v48 =	vsel vm10, v19, v17  }
0x78: {  	v51 =	vsel vm11, v15, v13;
	vm8 =	vgt.f32 v41, v7;
	vm10 =	vgt.f32 v43, v6  }
0x79: {  	v60 =	vsel vm13, v12, v0;
	vm11 =	vgt.f32 v43, v9;
	v3 =	vsel vm15, v3, v57  }
0x7a: {  	[tilespmem:s29+$0x14000] =	vst v38;
	vm13 =	vgt.f32 v40, v39;
	vm15 =	vgt.f32 v43, v39;
	v54 =	vsel vm0, v37, v48  }
0x7b: {  	[tilespmem:s29+$0x14080] =	vst v21;
	v55 =	vsel vm7, v1, v51;
	v59 =	vsel vm8, v16, v2;
	vm8 =	vgt.f32 v40, v8  }
0x7c: {  	p1 =	sne.s32 s25, $0x1F;
	[tilespmem:s29+$0x14100] =	vst v10;
	v58 =	vsel vm10, v1, v53;
	vm10 =	vgt.f32 v41, v8;
	v6 =	vsel vm8, v54, v56  }
.Ltmp1:
0x7d: {  	[tilespmem:s2+$0x14180] =	vst v23;
	v4 =	vsel vm10, v4, v59;
	v7 =	vsel vm9, v55, v60;
	v3 =	vsel vm13, v6, v3;
	(pc) =	sbr.rel @p1 .LBB2_6-.Ltmp1, $4  }
0x7e: {  	v2 =	vsel vm12, v11, v61;
	v0 =	vsel vm11, v58, v62;
	v63 =	vsel vm14, v4, v7;
	[tilespmem:s2+$0x14000] =	vst v3  }
0x7f: {  	s31 =	sshll.u32 s30, $0xB;
	v0 =	vsel vm15, v2, v0;
	[tilespmem:s2+$0x14080] =	vst v63  }
0x80: {  	s0 =	sadd.s32 s4, s31;
	[tilespmem:s2+$0x14100] =	vst v0  }
0x81: {  	[hbm4b:s0+s14] =	stream.strided.scatter [tilespmem:s19], [sflag:$0x3], $0x2000, s15, s14, $0x38;
	[tilespmem:$0x18000] =	vst v63  }
.Ltmp2:
0x82: {  	(pc) =	sbr.rel .LBB2_7-.Ltmp2, $4  }
0x83: {  	_ = 	snop  }
0x84: {  	_ =	swait.ge [sflag:s20], $0x2000  }
0x85: {  	[sflag:s20] =	ssyncset.done $0x0  }
0x86: {  	[sflag:s20] =	ssyncadd.s32 $0xFFFFE000  }
.LBB2_6:
.Ltmp3:
0x87: {  	s0 =	sadd.s32 s28, s9;
	(pc) =	sbr.rel @p0 .LBB2_8-.Ltmp3, $4  }
0x88: {  	[tilespmem:s16], [sflag:$0x1] =	stream.strided.gather [hbm4b:s0+s14], $0x2000, s15, s14, $0x38;
	[tilespmem:$0x18000] =	vst v63  }
0x89: {  	_ =	swait.ge [sflag:s20], $0x2000  }
0x8a: {  	[sflag:s20] =	ssyncset.done $0x0  }
0x8b: {  	[sflag:s20] =	ssyncadd.s32 $0xFFFFE000  }
.LBB2_7:
0x8c: {  	_ =	swait.ge [sflag:s21], $0x2000  }
0x8d: {  	[sflag:s21] =	ssyncset.done $0x0  }
0x8e: {  	[sflag:s21] =	ssyncadd.s32 $0xFFFFE000  }
.LBB2_8:
0x8f: {  	s0 =	simm.s32 $0x0  }
0x90: {  	s2 =	simm.s32 $0x0;
	s0 =	sand.u32 $0x70, s0  }
0x91: {  	s2 =	sor.u32 s0, s2  }
0x92: {  	v4 =	vld [tilespmem:s2+$0x80]  }
0x93: {  	v3 =	vld [tilespmem:s2+$0x300]  }
0x94: {  	v31 =	vld [tilespmem:s2+$0x8000]  }
0x95: {  	v32 =	vld [tilespmem:s2+$0x8080]  }
0x96: {  	v19 =	vld [tilespmem:s2+$0x8280]  }
0x97: {  	v26 =	vld [tilespmem:s2+$0x8300]  }
0x98: {  	v7 =	vld [tilespmem:s2+$0x0]  }
0x99: {  	v13 =	vld [tilespmem:s2+$0x180]  }
0x9a: {  	v15 =	vld [tilespmem:s2+$0x280]  }
0x9b: {  	v6 =	vld [tilespmem:s2+$0x8100]  }
0x9c: {  	s3 =	simm.s32 $0x0;
	v18 =	vld [tilespmem:s2+$0x8180]  }
0x9d: {  	s28 =	sor.u32 s0, s3;
	v16 =	vld [tilespmem:s2+$0x8380]  }
0x9e: {  	v0 =	vld [tilespmem:s28+$0x12180]  }
0x9f: {  	v1 =	vld [tilespmem:s2+$0x100]  }
0xa0: {  	v2 =	vld [tilespmem:s2+$0x380]  }
0xa1: {  	v10 =	vld [tilespmem:s28+$0x12000]  }
0xa2: {  	v11 =	vld [tilespmem:s28+$0x12080]  }
0xa3: {  	v14 =	vld [tilespmem:s28+$0x12100]  }
0xa4: {  	v20 =	vld [tilespmem:s2+$0xC000];
	s3 =	sor.u32 $0x4000, s2  }
0xa5: {  	v21 =	vld [tilespmem:s3+$0x0];
	vm0 =	vgt.f32 v0, v4;
	vm1 =	vgt.f32 v0, v3  }
0xa6: {  	v23 =	vld [tilespmem:s2+$0xC080];
	vm2 =	vgt.f32 v0, v7;
	vm3 =	vgt.f32 v0, v13;
	vm4 =	vgt.f32 v0, v15  }
0xa7: {  	s29 =	simm.s32 $0x10;
	v5 =	vld [tilespmem:s2+$0x200];
	vm5 =	vgt.f32 v0, v1;
	vm6 =	vgt.f32 v0, v2;
	vm11 =	vgt.f32 v11, v2  }
0xa8: {  	s30 =	simm.s32 $0x0;
	s13 =	sand.u32 $0x70, s29;
	v17 =	vld [tilespmem:s2+$0x8200];
	vm12 =	vgt.f32 v14, v2;
	vm13 =	vgt.f32 v10, v7;
	vm14 =	vgt.f32 v10, v13  }
0xa9: {  	s0 =	sor.u32 s13, s30;
	vm15 =	vgt.f32 v11, v7;
	vm7 =	vgt.f32 v11, v13;
	vm8 =	vgt.f32 v11, v15  }
0xaa: {  	vm9 =	vgt.f32 v14, v7;
	v7 =	vld [tilespmem:s0+$0x280];
	vm10 =	vgt.f32 v0, v21;
	v9 =	vsel vm6, v20, v16  }
0xab: {  	v8 =	vsel vm4, v26, v19;
	v12 =	vsel vm5, v18, v6;
	v22 =	vsel vm10, v23, v9;
	v9 =	vld [tilespmem:s0+$0x80]  }
0xac: {  	v24 =	vsel vm2, v32, v31;
	vm2 =	vgt.f32 v0, v5;
	vm10 =	vgt.f32 v14, v13;
	v13 =	vld [tilespmem:s0+$0x8100]  }
0xad: {  	v27 =	vsel vm11, v20, v16;
	v12 =	vsel vm3, v17, v12;
	v0 =	vsel vm1, v22, v8;
	v8 =	vld [tilespmem:s0+$0x300]  }
0xae: {  	v30 =	vsel vm15, v32, v31;
	v12 =	vsel vm0, v12, v24;
	vm1 =	vgt.f32 v10, v2;
	v2 =	vld [tilespmem:s0+$0x8280]  }
0xaf: {  	vm3 =	vgt.f32 v11, v1;
	vm0 =	vgt.f32 v10, v1;
	v33 =	vsel vm2, v0, v12;
	v0 =	vld [tilespmem:s0+$0x8000]  }
0xb0: {  	v28 =	vsel vm3, v18, v6;
	vm3 =	vgt.f32 v14, v21;
	vm2 =	vgt.f32 v10, v21;
	v12 =	vld [tilespmem:s0+$0x8080]  }
0xb1: {  	v22 =	vsel vm1, v20, v16;
	vm1 =	vgt.f32 v14, v1;
	v1 =	vld [tilespmem:s0+$0x8200];
	v25 =	vsel vm0, v18, v6  }
0xb2: {  	vm0 =	vgt.f32 v11, v21;
	v20 =	vsel vm12, v20, v16;
	v16 =	vld [tilespmem:s0+$0x8300];
	v29 =	vsel vm1, v18, v6  }
0xb3: {  	v18 =	vld [tilespmem:s0+$0x0];
	vm1 =	vgt.f32 v10, v15;
	v24 =	vsel vm2, v23, v22;
	v25 =	vsel vm14, v17, v25  }
0xb4: {  	v6 =	vld [tilespmem:s0+$0x180];
	vm2 =	vgt.f32 v14, v15;
	v21 =	vsel vm0, v23, v27;
	v22 =	vsel vm7, v17, v28  }
0xb5: {  	v23 =	vsel vm3, v23, v20;
	v15 =	vld [tilespmem:s0+$0x8180];
	v28 =	vsel vm13, v32, v31;
	vm0 =	vgt.f32 v10, v4  }
0xb6: {  	s31 =	simm.s32 $0x0;
	v31 =	vsel vm9, v32, v31;
	v27 =	vsel vm1, v26, v19;
	v20 =	vsel vm10, v17, v29;
	v17 =	vld [tilespmem:s0+$0x8380]  }
0xb7: {  	s2 =	sor.u32 s13, s31;
	s13 =	simm.s32 $0x2;
	[tilespmem:s28+$0x16180] =	vst v33;
	v29 =	vsel vm8, v26, v19;
	v26 =	vsel vm2, v26, v19;
	v19 =	vld [tilespmem:s0+$0xC000];
	vm1 =	vgt.f32 v10, v3  }
.LBB2_9:
0xb8: {  	p0 =	sne.s32 s13, $0x7F;
	v32 =	vld [tilespmem:s2+$0x12180];
	vm2 =	vgt.f32 v11, v4;
	vm3 =	vgt.f32 v11, v3;
	vm4 =	vgt.f32 v14, v4;
	v4 =	vmovc v9  }
0xb9: {  	v9 =	vsel vm1, v24, v27;
	v24 =	vsel vm0, v25, v28;
	vm0 =	vgt.f32 v14, v3;
	v3 =	vmovc v8;
	v33 =	vld [tilespmem:s0+$0x100]  }
0xba: {  	s3 =	sor.u32 $0x4000, s0;
	v34 =	vmovc v12;
	v8 =	vsel vm3, v21, v29;
	v27 =	vsel vm2, v22, v30;
	v22 =	vsel vm0, v23, v26;
	v25 =	vld [tilespmem:s0+$0x380]  }
0xbb: {  	vm1 =	vgt.f32 v11, v5;
	vm0 =	vgt.f32 v10, v5;
	v10 =	vsel vm4, v20, v31;
	v26 =	vmovc v16;
	v23 =	vld [tilespmem:s3+$0x0]  }
0xbc: {  	vm2 =	vgt.f32 v14, v5;
	v21 =	vmovc v18;
	v9 =	vsel vm0, v9, v24;
	v8 =	vsel vm1, v8, v27;
	v20 =	vld [tilespmem:s0+$0xC080]  }
0xbd: {  	v5 =	vld [tilespmem:s0+$0x200];
	vm0 =	vgt.f32 v32, v4;
	vm1 =	vgt.f32 v32, v3;
	[tilespmem:s28+$0x16000] =	vst v9;
	v9 =	vsel vm2, v22, v10  }
0xbe: {  	vm2 =	vgt.f32 v32, v21;
	vm3 =	vgt.f32 v32, v6;
	vm4 =	vgt.f32 v32, v7;
	v10 =	vld [tilespmem:s2+$0x12000];
	[tilespmem:s28+$0x16080] =	vst v8  }
0xbf: {  	s29 =	sadd.s32 $0x10, s29;
	s3 =	sshrl.u32 s13, $0x3;
	vm5 =	vgt.f32 v32, v33;
	v8 =	vsel vm4, v26, v2;
	v11 =	vld [tilespmem:s2+$0x12080];
	vm6 =	vgt.f32 v32, v25;
	[tilespmem:s28+$0x16100] =	vst v9;
	s28 =	smov.u32 s2  }
0xc0: {  	s0 =	sshll.u32 s3, $0xA;
	s2 =	sand.u32 $0x70, s29;
	v12 =	vsel vm5, v15, v13;
	v14 =	vld [tilespmem:s28+$0x12100];
	vm4 =	vgt.f32 v32, v23;
	v9 =	vsel vm6, v19, v17  }
0xc1: {  	v18 =	vsel vm2, v34, v0;
	s0 =	sor.u32 s2, s0;
	v12 =	vsel vm3, v1, v12;
	v16 =	vsel vm4, v20, v9  }
0xc2: {  	v12 =	vsel vm0, v12, v18;
	v9 =	vld [tilespmem:s0+$0x80];
	vm2 =	vgt.f32 v32, v5;
	v16 =	vsel vm1, v16, v8  }
0xc3: {  	v8 =	vld [tilespmem:s0+$0x300];
	vm1 =	vgt.f32 v10, v33;
	vm3 =	vgt.f32 v10, v25;
	v12 =	vsel vm2, v16, v12  }
0xc4: {  	vm0 =	vgt.f32 v10, v23;
	v32 =	vld [tilespmem:s0+$0x8000];
	vm2 =	vgt.f32 v11, v33;
	vm4 =	vgt.f32 v11, v25;
	[tilespmem:s28+$0x16180] =	vst v12  }
0xc5: {  	v22 =	vsel vm3, v19, v17;
	v12 =	vld [tilespmem:s0+$0x8080];
	vm3 =	vgt.f32 v14, v33;
	vm5 =	vgt.f32 v14, v25  }
0xc6: {  	v25 =	vsel vm1, v15, v13;
	vm1 =	vgt.f32 v11, v23;
	v27 =	vsel vm4, v19, v17;
	v29 =	vld [tilespmem:s0+$0x8200]  }
0xc7: {  	v28 =	vsel vm2, v15, v13;
	vm2 =	vgt.f32 v14, v23;
	v17 =	vsel vm5, v19, v17;
	v31 =	vld [tilespmem:s0+$0x8280]  }
0xc8: {  	vm4 =	vgt.f32 v10, v21;
	vm5 =	vgt.f32 v10, v6;
	v19 =	vsel vm3, v15, v13;
	v16 =	vld [tilespmem:s0+$0x8300]  }
0xc9: {  	vm6 =	vgt.f32 v11, v21;
	vm7 =	vgt.f32 v11, v6;
	vm3 =	vgt.f32 v10, v7;
	v18 =	vld [tilespmem:s0+$0x0]  }
0xca: {  	vm8 =	vgt.f32 v11, v7;
	vm9 =	vgt.f32 v14, v21;
	vm10 =	vgt.f32 v14, v6;
	v6 =	vld [tilespmem:s0+$0x180]  }
.Ltmp4:
0xcb: {  	v24 =	vsel vm0, v20, v22;
	vm0 =	vgt.f32 v14, v7;
	v25 =	vsel vm5, v1, v25;
	v7 =	vld [tilespmem:s0+$0x280];
	(pc) =	sbr.rel @p0 .LBB2_9-.Ltmp4, $4  }
0xcc: {  	v21 =	vsel vm1, v20, v27;
	v22 =	vsel vm7, v1, v28;
	v23 =	vsel vm2, v20, v17;
	v13 =	vld [tilespmem:s0+$0x8100]  }
0xcd: {  	v28 =	vsel vm4, v34, v0;
	v27 =	vsel vm3, v26, v2;
	v20 =	vsel vm10, v1, v19;
	v1 =	vmovc v29;
	v15 =	vld [tilespmem:s0+$0x8180]  }
0xce: {  	s3 =	sshll.u32 s3, $0x9;
	v30 =	vsel vm6, v34, v0;
	v29 =	vsel vm8, v26, v2;
	v26 =	vsel vm0, v26, v2;
	v2 =	vmovc v31;
	v17 =	vld [tilespmem:s0+$0x8380]  }
0xcf: {  	s13 =	sadd.s32 $0x1, s13;
	s2 =	sor.u32 s2, s3;
	vm1 =	vgt.f32 v10, v3;
	vm0 =	vgt.f32 v10, v4;
	v31 =	vsel vm9, v34, v0;
	v0 =	vmovc v32;
	v19 =	vld [tilespmem:s0+$0xC000]  }
0xd0: {  	v32 =	vld [tilespmem:s2+$0x12180]  }
0xd1: {  	v33 =	vld [tilespmem:s0+$0x100]  }
0xd2: {  	vm2 =	vgt.f32 v11, v4;
	vm3 =	vgt.f32 v11, v3;
	vm4 =	vgt.f32 v14, v4;
	v34 =	vld [tilespmem:s0+$0x380]  }
0xd3: {  	v24 =	vsel vm1, v24, v27;
	v25 =	vsel vm0, v25, v28;
	vm6 =	vgt.f32 v14, v3;
	v39 =	vld [tilespmem:s0+$0x200]  }
0xd4: {  	vm7 =	vgt.f32 v10, v5;
	vm8 =	vgt.f32 v11, v5;
	vm9 =	vgt.f32 v14, v5;
	v40 =	vld [tilespmem:s2+$0x12000]  }
0xd5: {  	s3 =	sor.u32 $0x4000, s0;
	v41 =	vld [tilespmem:s2+$0x12080];
	v21 =	vsel vm3, v21, v29;
	v22 =	vsel vm2, v22, v30;
	v23 =	vsel vm6, v23, v26  }
0xd6: {  	v35 =	vld [tilespmem:s3+$0x0];
	v36 =	vsel vm4, v20, v31;
	v38 =	vsel vm7, v24, v25;
	v21 =	vsel vm8, v21, v22  }
0xd7: {  	v10 =	vsel vm9, v23, v36;
	vm10 =	vgt.f32 v32, v9;
	vm11 =	vgt.f32 v32, v8  }
0xd8: {  	v43 =	vld [tilespmem:s2+$0x12100];
	vm12 =	vgt.f32 v32, v18;
	vm13 =	vgt.f32 v32, v6;
	vm14 =	vgt.f32 v32, v7  }
0xd9: {  	vm5 =	vgt.f32 v32, v33;
	vm6 =	vgt.f32 v32, v34;
	vm8 =	vgt.f32 v32, v39  }
0xda: {  	v37 =	vld [tilespmem:s0+$0xC080];
	vm9 =	vgt.f32 v40, v33;
	vm4 =	vgt.f32 v40, v18;
	vm7 =	vgt.f32 v41, v6  }
0xdb: {  	v42 =	vsel vm14, v16, v2;
	vm15 =	vgt.f32 v32, v35;
	v44 =	vsel vm6, v19, v17  }
0xdc: {  	v45 =	vsel vm5, v15, v13;
	v46 =	vsel vm12, v12, v0;
	vm0 =	vgt.f32 v40, v35  }
0xdd: {  	vm12 =	vgt.f32 v41, v34;
	vm14 =	vgt.f32 v43, v34;
	v49 =	vsel vm9, v15, v13  }
0xde: {  	vm1 =	vgt.f32 v41, v35;
	vm3 =	vgt.f32 v43, v35;
	vm9 =	vgt.f32 v43, v18  }
0xdf: {  	v57 =	vsel vm4, v12, v0;
	v25 =	vsel vm15, v37, v44;
	v27 =	vsel vm13, v1, v45  }
0xe0: {  	vm13 =	vgt.f32 v43, v33;
	v50 =	vsel vm12, v19, v17;
	v52 =	vsel vm14, v19, v17  }
0xe1: {  	vm15 =	vgt.f32 v40, v6;
	vm12 =	vgt.f32 v40, v7;
	vm14 =	vgt.f32 v43, v7  }
0xe2: {  	v62 =	vsel vm9, v12, v0;
	vm9 =	vgt.f32 v41, v9;
	v23 =	vsel vm11, v25, v42  }
0xe3: {  	v47 =	vsel vm10, v27, v46;
	vm10 =	vgt.f32 v40, v34;
	vm11 =	vgt.f32 v41, v33  }
0xe4: {  	v53 =	vsel vm13, v15, v13;
	vm13 =	vgt.f32 v41, v18;
	v3 =	vsel vm15, v1, v49  }
0xe5: {  	v4 =	vsel vm1, v37, v50;
	v11 =	vsel vm3, v37, v52;
	v56 =	vsel vm12, v16, v2  }
0xe6: {  	v61 =	vsel vm14, v16, v2;
	vm15 =	vgt.f32 v40, v9;
	vm12 =	vgt.f32 v43, v8  }
0xe7: {  	vm14 =	vgt.f32 v41, v39;
	v23 =	vsel vm8, v23, v47;
	v48 =	vsel vm10, v19, v17  }
0xe8: {  	v51 =	vsel vm11, v15, v13;
	vm8 =	vgt.f32 v41, v7;
	vm10 =	vgt.f32 v43, v6  }
0xe9: {  	v60 =	vsel vm13, v12, v0;
	vm11 =	vgt.f32 v43, v9;
	v3 =	vsel vm15, v3, v57  }
0xea: {  	[tilespmem:s28+$0x16000] =	vst v38;
	vm13 =	vgt.f32 v40, v39;
	vm15 =	vgt.f32 v43, v39;
	v54 =	vsel vm0, v37, v48  }
0xeb: {  	s25 =	sadd.s32 $0x1, s25;
	[tilespmem:s28+$0x16080] =	vst v21;
	v55 =	vsel vm7, v1, v51;
	v59 =	vsel vm8, v16, v2;
	vm8 =	vgt.f32 v40, v8  }
0xec: {  	p0 =	sne.s32 s25, $0x20;
	[tilespmem:s28+$0x16100] =	vst v10;
	v58 =	vsel vm10, v1, v53;
	vm10 =	vgt.f32 v41, v8;
	v6 =	vsel vm8, v54, v56  }
.Ltmp5:
0xed: {  	[tilespmem:s2+$0x16180] =	vst v23;
	v4 =	vsel vm10, v4, v59;
	v7 =	vsel vm9, v55, v60;
	v3 =	vsel vm13, v6, v3;
	(pc) =	sbr.rel @p0 .LBB2_2-.Ltmp5, $4  }
0xee: {  	v2 =	vsel vm12, v11, v61;
	v0 =	vsel vm11, v58, v62;
	v63 =	vsel vm14, v4, v7;
	[tilespmem:s2+$0x16000] =	vst v3  }
0xef: {  	v0 =	vsel vm15, v2, v0;
	[tilespmem:s2+$0x16080] =	vst v63  }
0xf0: {  	s31 =	sadd.s32 s4, s26;
	[tilespmem:s2+$0x16100] =	vst v0  }
0xf1: {  	[hbm4b:s31+s14] =	stream.strided.scatter [tilespmem:s22], [sflag:$0x4], $0x2000, s15, s14, $0x38;
	[tilespmem:$0x18000] =	vst v63  }
0xf2: {  	s24 =	sadd.s32 $0x1, s24  }
0xf3: {  	_ =	swait.ge [sflag:s23], $0x2000;
	p0 =	sne.s32 s24, s10  }
.Ltmp6:
0xf4: {  	[sflag:s23] =	ssyncset.done $0x0;
	(pc) =	sbr.rel @p0 .LBB2_1-.Ltmp6, $4  }
0xf5: {  	[sflag:s23] =	ssyncadd.s32 $0xFFFFE000  }
0xf6: {  	_ =	swait.ge [sflag:s21], $0x2000  }
0xf7: {  	[sflag:s21] =	ssyncset.done $0x0  }
0xf8: {  	[sflag:s21] =	ssyncadd.s32 $0xFFFFE000  }
0xf9: {  	_ =	sfence.sel $0x180000  }
0xfa: {  	[bflag:$0x0] =	sbarrier.arrive $0xFFFF  }
0xfb: {  	_ =	strace $0x90000047  }
0xfc: {  	s0 =	stileid.u32;
	[bflag:$0x2] =	sbarrier.arrive $0xFFFF  }
0xfd: {  	p0 =	sne.s32 s0, $0x0;
	s0 =	rddreg [dreg:$0x3]  }
0xfe: {  	s0 =	sadd.s32 @!p0 $0x100000, s0  }
0xff: {  	[sflag:s0] =	ssyncadd.tile.s32 @!p0 $0x1;
	_ =	shalt  }
.Lfunc_end2:
_tile_overlayer_lowered:
.L_overlay_start_2:
0x100: {  	(tag) =	ssettag $0x2  }
0x101: {  	s0 =	rddreg [dreg:$0x0];
	s2 =	stileid.u32  }
0x102: {  	s1 =	rddreg [dreg:$0x1];
	p0 =	sne.s32 s2, $0x0  }
0x103: {  	s3 =	rddreg [dreg:$0x2];
	[bflag:$0x3] =	sbarrier.arrive $0xFFFF;
	s2 =	simm.s32 @!p0 $0x1C05  }
0x104: {  	[timem:s3], [sflag:s2] =	dma.local @!p0 [hbm:s0], s1  }
0x105: {  	s0 =	simm.s32 @!p0 $0x5  }
0x106: {  	_ =	swait.ge @!p0 [sflag:s0], s1  }
0x107: {  	s1 =	ssub.s32 @!p0 $0x0, s1;
	[sflag:s0] =	ssyncset.done @!p0 $0x0  }
0x108: {  	[sflag:s0] =	ssyncadd.s32 @!p0 s1  }
0x109: {  	[bflag:$0x3] =	sbarrier.arrive $0xFFFF  }
0x10a: {  	_ =	shalt  }

</sc_bundles>
